<compile_context>
chip_gen: v7x
topology: tpu7x:2x2x1
jax: 0.10.2.dev20260603
libtpu: 0.0.44.dev20260713+nightly
codegen_flags: <defaults>
</compile_context>

<pallas_src>
import functools

import jax
import jax.numpy as jnp
from jax import lax
from jax.experimental import pallas as pl
from jax.experimental.pallas import tpu as pltpu
from jax.experimental.pallas import tpu_sc as plsc

N_NODES = 10000
IN_CH = 128
HIDDEN = 128
OUT_CH = 8
OUT_PAD = 16

NC = 2
NS = 16
NW = NC * NS
EPW = 10240
E_PAD = NW * EPW
N_PAD = 10112
RPT = N_PAD // NS

_MESH = plsc.VectorSubcoreMesh(core_axis_name="c", subcore_axis_name="s")


_SC_PARAMS = pltpu.CompilerParams(use_tc_tiling_on_sc=False)
CH = 64
N0CH = 180
N1CH = 134
NCHMX = max(N0CH, N1CH)
E0 = NS * N0CH * CH
E1 = NS * N1CH * CH


def _make_agg(width):

  @functools.partial(
      pl.kernel,
      out_type=jax.ShapeDtypeStruct((NC, N_PAD, width), jnp.float32),
      mesh=_MESH,
      compiler_params=_SC_PARAMS,
      scratch_types=[
          pltpu.VMEM((NCHMX * CH,), jnp.int32),
          pltpu.VMEM((NCHMX, CH), jnp.int32),
          pltpu.VMEM((CH, width), jnp.float32),
          pltpu.VMEM((CH, width), jnp.float32),
          pltpu.VMEM_SHARED((N_PAD, width), jnp.float32),
          pltpu.SemaphoreType.DMA,
          pltpu.SemaphoreType.DMA,
      ],
  )
  def agg(table, zeros, src_hbm, dst_hbm, out, src_v, dst_v, buf0, buf1,
          acc, sem0, sem1):
    cid = lax.axis_index("c")
    sid = lax.axis_index("s")
    wid = cid * NS + sid
    rows = pl.ds(sid * RPT, RPT)
    nch = jnp.where(cid == 0, N0CH, N1CH)

    pltpu.sync_copy(src_hbm.at[wid], src_v)
    pltpu.sync_copy(dst_hbm.at[wid], dst_v)

    @pl.when(cid == 0)
    def _():
      pltpu.sync_copy(table.at[rows], acc.at[rows])

    @pl.when(cid != 0)
    def _():
      pltpu.sync_copy(zeros.at[rows], acc.at[rows])

    plsc.subcore_barrier()

    bufs = (buf0, buf1)
    sems = (sem0, sem1)
    pltpu.async_copy(table.at[src_v.at[pl.ds(0, CH)]], buf0, sem0)
    pltpu.async_copy(table.at[src_v.at[pl.ds(CH, CH)]], buf1, sem1)

    @pl.loop(0, nch, step=2)
    def _(j):
      for b in range(2):
        jj = j + b
        pltpu.make_async_copy(
            table.at[src_v.at[pl.ds(jj * CH, CH)]], bufs[b], sems[b]).wait()
        pltpu.sync_copy(bufs[b], acc.at[dst_v.at[jj]], add=True)

        @pl.when(jj + 2 < nch)
        def _():
          pltpu.async_copy(
              table.at[src_v.at[pl.ds((jj + 2) * CH, CH)]], bufs[b], sems[b])

    plsc.subcore_barrier()
    pltpu.sync_copy(acc.at[rows], out.at[cid].at[rows])

  return agg


_agg128 = _make_agg(IN_CH)

CH16 = 128
N0CH16 = 114
N1CH16 = 44
E0_16 = NS * N0CH16 * CH16
E1_16 = NS * N1CH16 * CH16


@functools.partial(
    pl.kernel,
    out_type=jax.ShapeDtypeStruct((NC, N_PAD, OUT_PAD), jnp.float32),
    mesh=_MESH,
    compiler_params=_SC_PARAMS,
    scratch_types=[
        pltpu.VMEM((N0CH16 * CH16,), jnp.int32),
        pltpu.VMEM((N0CH16, CH16), jnp.int32),
        pltpu.VMEM((CH16, OUT_PAD), jnp.float32),
        pltpu.VMEM((CH16, OUT_PAD), jnp.float32),
        pltpu.VMEM_SHARED((N_PAD, OUT_PAD), jnp.float32),
        pltpu.SemaphoreType.DMA,
        pltpu.SemaphoreType.DMA,
    ],
)
def _agg16(table, zeros, src_hbm, dst_hbm, out, src_v, dst_v, buf0, buf1,
           acc, sem0, sem1):
  cid = lax.axis_index("c")
  sid = lax.axis_index("s")
  wid = cid * NS + sid
  rows = pl.ds(sid * RPT, RPT)
  NCH16 = jnp.where(cid == 0, N0CH16, N1CH16)

  pltpu.sync_copy(src_hbm.at[wid], src_v)
  pltpu.sync_copy(dst_hbm.at[wid], dst_v)

  @pl.when(cid == 0)
  def _():
    pltpu.sync_copy(table.at[rows], acc.at[rows])

  @pl.when(cid != 0)
  def _():
    pltpu.sync_copy(zeros.at[rows], acc.at[rows])

  plsc.subcore_barrier()

  bufs = (buf0, buf1)
  sems = (sem0, sem1)
  pltpu.async_copy(table.at[src_v.at[pl.ds(0, CH16)]], buf0, sem0)
  pltpu.async_copy(table.at[src_v.at[pl.ds(CH16, CH16)]], buf1, sem1)

  @pl.loop(0, NCH16, step=2)
  def _(j):
    for b in range(2):
      jj = j + b
      pltpu.make_async_copy(
          table.at[src_v.at[pl.ds(jj * CH16, CH16)]], bufs[b], sems[b]).wait()
      pltpu.sync_copy(bufs[b], acc.at[dst_v.at[jj]], add=True)

      @pl.when(jj + 2 < NCH16)
      def _():
        pltpu.async_copy(
            table.at[src_v.at[pl.ds((jj + 2) * CH16, CH16)]], bufs[b], sems[b])

  plsc.subcore_barrier()
  pltpu.sync_copy(acc.at[rows], out.at[cid].at[rows])


@functools.partial(
    pl.kernel,
    out_type=jax.ShapeDtypeStruct((NC, N_PAD, OUT_PAD), jnp.float32),
    mesh=_MESH,
    compiler_params=_SC_PARAMS,
    scratch_types=[
        pltpu.VMEM((EPW // 128, 128), jnp.int32),
        pltpu.VMEM((128, OUT_PAD), jnp.float32),
        pltpu.VMEM_SHARED((N_PAD, OUT_PAD), jnp.float32),
    ],
)
def _hist(dst_hbm, ones_hbm, zeros_hbm, out, dst_v, ones_v, acc):
  cid = lax.axis_index("c")
  sid = lax.axis_index("s")
  wid = cid * NS + sid
  rows = pl.ds(sid * RPT, RPT)

  pltpu.sync_copy(dst_hbm.at[wid], dst_v)
  pltpu.sync_copy(ones_hbm, ones_v)
  pltpu.sync_copy(zeros_hbm.at[rows], acc.at[rows])
  plsc.subcore_barrier()

  @pl.loop(0, EPW // 128)
  def _(j):
    pltpu.sync_copy(ones_v, acc.at[dst_v.at[j]], add=True)

  plsc.subcore_barrier()
  pltpu.sync_copy(acc.at[rows], out.at[cid].at[rows])


def _tc_prep_body(degp, x, dinv_o, xs_o):
  deg = degp[0, :, 0:1] + degp[1, :, 0:1] + 1.0
  dinv = lax.rsqrt(deg)
  dinv_o[...] = jnp.broadcast_to(dinv, (N_PAD, OUT_PAD))
  xs_o[0:N_NODES] = x[...] * dinv[0:N_NODES]
  xs_o[N_NODES:N_PAD] = jnp.zeros((N_PAD - N_NODES, IN_CH), jnp.float32)


_tc_prep = pl.pallas_call(
    _tc_prep_body,
    out_shape=(
        jax.ShapeDtypeStruct((N_PAD, OUT_PAD), jnp.float32),
        jax.ShapeDtypeStruct((N_PAD, IN_CH), jnp.float32),
    ),
)


def _tc_mid_body(agg1, dinv, W1, b1, W2p, gs_o):
  dcol = dinv[:, 0:1]
  out1 = (agg1[0] + agg1[1]) * dcol
  h = jnp.maximum(
      jnp.dot(out1, W1[...], preferred_element_type=jnp.float32) + b1[...], 0.0)
  g = jnp.dot(h, W2p[...], preferred_element_type=jnp.float32)
  gs_o[...] = g * dcol


_tc_mid = pl.pallas_call(
    _tc_mid_body,
    out_shape=jax.ShapeDtypeStruct((N_PAD, OUT_PAD), jnp.float32),
)


def _tc_final_body(agg2, dinv, b2p, z_o):
  out2 = (agg2[0] + agg2[1]) * dinv[:, 0:1] + b2p[...]
  z_o[...] = out2[0:N_NODES, 0:OUT_CH]


_tc_final = pl.pallas_call(
    _tc_final_body,
    out_shape=jax.ShapeDtypeStruct((N_NODES, OUT_CH), jnp.float32),
)


@jax.jit
def kernel(x, edge_index, W1, b1, W2, b2):
  ei = edge_index.astype(jnp.int32)
  n_edges = ei.shape[1]
  src, dst = ei[0], ei[1]

  n_extra = E_PAD - n_edges
  dst128 = jnp.concatenate(
      [dst, jnp.full((n_extra,), N_NODES, jnp.int32)]
  ).reshape(NW, EPW // 128, 128)

  pad16 = E0_16 + E1_16 - n_edges
  s16b = jnp.concatenate(
      [src[E0_16:], jnp.zeros((pad16,), jnp.int32)]).reshape(NS, N1CH16 * CH16)
  d16b = jnp.concatenate(
      [dst[E0_16:], jnp.full((pad16,), N_NODES, jnp.int32)]
  ).reshape(NS, N1CH16 * CH16)

  def _padw16(a, fill):
    return jnp.pad(a, ((0, 0), (0, (N0CH16 - N1CH16) * CH16)),
                   constant_values=fill)

  src16 = jnp.concatenate(
      [src[:E0_16].reshape(NS, N0CH16 * CH16), _padw16(s16b, 0)], axis=0)
  dst16 = jnp.concatenate(
      [dst[:E0_16].reshape(NS, N0CH16 * CH16), _padw16(d16b, N_NODES)],
      axis=0).reshape(NW, N0CH16, CH16)

  pad1 = E0 + E1 - n_edges
  srcA = src[:E0].reshape(NS, N0CH * CH)
  dstA = dst[:E0].reshape(NS, N0CH * CH)
  srcB = jnp.concatenate(
      [src[E0:], jnp.zeros((pad1,), jnp.int32)]).reshape(NS, N1CH * CH)
  dstB = jnp.concatenate(
      [dst[E0:], jnp.full((pad1,), N_NODES, jnp.int32)]).reshape(NS, N1CH * CH)

  def _padw(a, n, fill):
    return jnp.pad(a, ((0, 0), (0, NCHMX * CH - n)), constant_values=fill)

  src_w = jnp.concatenate(
      [_padw(srcA, N0CH * CH, 0), _padw(srcB, N1CH * CH, 0)], axis=0)
  dst_w = jnp.concatenate(
      [_padw(dstA, N0CH * CH, N_NODES), _padw(dstB, N1CH * CH, N_NODES)],
      axis=0).reshape(NW, NCHMX, CH)

  zeros128 = jnp.zeros((N_PAD, IN_CH), jnp.float32)
  zeros16 = jnp.zeros((N_PAD, OUT_PAD), jnp.float32)
  ones16 = jnp.ones((128, OUT_PAD), jnp.float32)
  W2p = jnp.zeros((HIDDEN, OUT_PAD), jnp.float32).at[:, :OUT_CH].set(W2)
  b1r = b1.reshape(1, HIDDEN)
  b2p = jnp.zeros((1, OUT_PAD), jnp.float32).at[0, :OUT_CH].set(b2)

  degp = _hist(dst128, ones16, zeros16)
  dinv, xs = _tc_prep(degp, x)
  agg1 = _agg128(xs, zeros128, src_w, dst_w)
  gs = _tc_mid(agg1, dinv, W1, b1r, W2p)
  agg2 = _agg16(gs, zeros16, src16, dst16)
  return _tc_final(agg2, dinv, b2p)

# --- scband reference (transcript-rebuilt; emitter-appended) ---
"""Pipeline reference for scband-net-6296422055966 (READ-ONLY COPY).

The authoritative reference and input builder live on the scoring server;
editing this copy changes nothing except your own understanding.
"""

import jax, jax.numpy as jnp
import numpy as np

N_NODES = 10000
N_EDGES = 320000
IN_CH = 128
HIDDEN = 128
OUT_CH = 8


def gcn_conv(x, edge_index, W, b, num_nodes):
    # Faithful PyG GCNConv: add self-loops, symmetric normalization, linear, scatter-add, bias.
    src = edge_index[0]
    dst = edge_index[1]
    loop = jnp.arange(num_nodes, dtype=src.dtype)
    src = jnp.concatenate([src, loop])
    dst = jnp.concatenate([dst, loop])
    ones = jnp.ones(src.shape[0], dtype=x.dtype)
    deg = jnp.zeros(num_nodes, dtype=x.dtype).at[dst].add(ones)
    deg_inv_sqrt = jnp.where(deg > 0, deg ** -0.5, 0.0)
    norm = deg_inv_sqrt[src] * deg_inv_sqrt[dst]
    xw = x @ W
    msgs = xw[src] * norm[:, None]
    out = jnp.zeros((num_nodes, W.shape[1]), dtype=x.dtype).at[dst].add(msgs)
    return out + b


def setup_inputs(seed: int = 0) -> dict:
    key = jax.random.key(seed)
    k1, k2, k3, k4, k5, k6 = jax.random.split(key, 6)
    x = jax.random.normal(k1, (N_NODES, IN_CH), dtype=jnp.float32)
    edge_index = jax.random.randint(k2, (2, N_EDGES), 0, N_NODES, dtype=jnp.int64)
    s1 = 1.0 / np.sqrt(IN_CH)
    s2 = 1.0 / np.sqrt(HIDDEN)
    W1 = jax.random.uniform(k3, (IN_CH, HIDDEN), dtype=jnp.float32, minval=-s1, maxval=s1)
    b1 = jax.random.uniform(k4, (HIDDEN,), dtype=jnp.float32, minval=-s1, maxval=s1)
    W2 = jax.random.uniform(k5, (HIDDEN, OUT_CH), dtype=jnp.float32, minval=-s2, maxval=s2)
    b2 = jax.random.uniform(k6, (OUT_CH,), dtype=jnp.float32, minval=-s2, maxval=s2)
    return {"x": x, "edge_index": edge_index, "W1": W1, "b1": b1, "W2": W2, "b2": b2}


def reference(x, edge_index, W1, b1, W2, b2):
    # Net.encode: conv1 -> relu -> conv2
    h = gcn_conv(x, edge_index, W1, b1, N_NODES)
    h = jax.nn.relu(h)
    z = gcn_conv(h, edge_index, W2, b2, N_NODES)
    return z

if __name__ == "__main__":
    import jax
    _d = setup_inputs()
    print(jax.jit(kernel)(*tuple(_d.values())))

</pallas_src>

<mosaic_0001>
#map = affine_map<(d0, d1) -> (0, 0)>
#map1 = affine_map<(d0, d1) -> (0, 0, 0)>
module attributes {stable_mosaic.version = 14 : i64} {
  func.func @_agg16(%arg0: i32, %arg1: i32, %arg2: memref<10112x16xf32, #tpu.memory_space<hbm>>, %arg3: memref<10112x16xf32, #tpu.memory_space<hbm>>, %arg4: memref<32x14592xi32, #tpu.memory_space<hbm>>, %arg5: memref<32x114x128xi32, #tpu.memory_space<hbm>>, %arg6: memref<2x10112x16xf32, #tpu.memory_space<hbm>>, %arg7: memref<14592xi32, #tpu.memory_space<vmem>>, %arg8: memref<114x128xi32, #tpu.memory_space<vmem>>, %arg9: memref<128x16xf32, #tpu.memory_space<vmem>>, %arg10: memref<128x16xf32, #tpu.memory_space<vmem>>, %arg11: memref<10112x16xf32, #tpu.memory_space<vmem_shared>>, %arg12: memref<!tpu.dma_semaphore, #tpu.memory_space<semaphore_mem>>, %arg13: memref<!tpu.dma_semaphore, #tpu.memory_space<semaphore_mem>>) attributes {dimension_semantics = [#tpu.dimension_semantics<core_parallel>, #tpu.dimension_semantics<subcore_parallel>], iteration_bounds = array<i64: 2, 16>, scalar_prefetch = 0 : i64, scratch_operands = 7 : i64, tpu.core_type = #tpu.core_type<sc_vector_subcore>, window_params = [{transform_indices = #map}, {transform_indices = #map}, {transform_indices = #map}, {transform_indices = #map1}, {transform_indices = #map1}]} {
    %mul3A = arith.constant 16 : i32
    %mul3A_0 = arith.muli %arg0, %mul3A : i32
    %add3A = arith.addi %mul3A_0, %arg1 : i32
    %mul3A_1 = arith.constant 632 : i32
    %mul3A_2 = arith.muli %arg1, %mul3A_1 : i32
    %eq3A = arith.constant 0 : i32
    %eq3A_3 = arith.cmpi eq, %arg0, %eq3A : i32
    %jit3A = arith.constant 114 : i32
    %jit3A_4 = arith.constant 44 : i32
    %select_n3A = arith.select %eq3A_3, %jit3A, %jit3A_4 : i32
    "tpu.region"() ({
      %run_scoped3A = tpu.sem_alloc : memref<!tpu.dma_semaphore, #tpu.memory_space<semaphore_mem>>
      %dma_start3A_38 = arith.constant 0 : i32
      %dma_start3A_39 = tpu.memref_slice %arg4[%add3A, %dma_start3A_38] : memref<32x14592xi32, #tpu.memory_space<hbm>> -> memref<1x14592xi32, #tpu.memory_space<hbm>>
      %dma_start3A_40 = tpu.memref_squeeze %dma_start3A_39 : memref<1x14592xi32, #tpu.memory_space<hbm>> -> memref<14592xi32, #tpu.memory_space<hbm>>
      %dma_start3A_41 = arith.constant 0 : i32
      %dma_start3A_42 = tpu.memref_slice %arg4[%add3A, %dma_start3A_41] : memref<32x14592xi32, #tpu.memory_space<hbm>> -> memref<1x14592xi32, #tpu.memory_space<hbm>>
      %dma_start3A_43 = tpu.memref_squeeze %dma_start3A_42 : memref<1x14592xi32, #tpu.memory_space<hbm>> -> memref<14592xi32, #tpu.memory_space<hbm>>
      tpu.enqueue_dma source(%dma_start3A_43 : memref<14592xi32, #tpu.memory_space<hbm>>) target(%arg7 : memref<14592xi32, #tpu.memory_space<vmem>>) target_semaphore(%run_scoped3A : memref<!tpu.dma_semaphore, #tpu.memory_space<semaphore_mem>>)
      %dma_wait3A = arith.constant 0 : i32
      %dma_wait3A_44 = tpu.memref_slice %arg4[%add3A, %dma_wait3A] : memref<32x14592xi32, #tpu.memory_space<hbm>> -> memref<1x14592xi32, #tpu.memory_space<hbm>>
      %dma_wait3A_45 = tpu.memref_squeeze %dma_wait3A_44 : memref<1x14592xi32, #tpu.memory_space<hbm>> -> memref<14592xi32, #tpu.memory_space<hbm>>
      %dma_wait3A_46 = arith.constant 0 : i32
      %dma_wait3A_47 = tpu.memref_slice %arg4[%add3A, %dma_wait3A_46] : memref<32x14592xi32, #tpu.memory_space<hbm>> -> memref<1x14592xi32, #tpu.memory_space<hbm>>
      %dma_wait3A_48 = tpu.memref_squeeze %dma_wait3A_47 : memref<1x14592xi32, #tpu.memory_space<hbm>> -> memref<14592xi32, #tpu.memory_space<hbm>>
      tpu.wait_dma2 semaphore(%run_scoped3A : memref<!tpu.dma_semaphore, #tpu.memory_space<semaphore_mem>>) src(%dma_wait3A_48 : memref<14592xi32, #tpu.memory_space<hbm>>) dst(%arg7 : memref<14592xi32, #tpu.memory_space<vmem>>)
      tpu.yield
    }) : () -> ()
    "tpu.region"() ({
      %run_scoped3A = tpu.sem_alloc : memref<!tpu.dma_semaphore, #tpu.memory_space<semaphore_mem>>
      %dma_start3A_38 = arith.constant 0 : i32
      %dma_start3A_39 = arith.constant 0 : i32
      %dma_start3A_40 = tpu.memref_slice %arg5[%add3A, %dma_start3A_38, %dma_start3A_39] : memref<32x114x128xi32, #tpu.memory_space<hbm>> -> memref<1x114x128xi32, #tpu.memory_space<hbm>>
      %dma_start3A_41 = tpu.memref_squeeze %dma_start3A_40 : memref<1x114x128xi32, #tpu.memory_space<hbm>> -> memref<114x128xi32, #tpu.memory_space<hbm>>
      %dma_start3A_42 = arith.constant 0 : i32
      %dma_start3A_43 = arith.constant 0 : i32
      %dma_start3A_44 = tpu.memref_slice %arg5[%add3A, %dma_start3A_42, %dma_start3A_43] : memref<32x114x128xi32, #tpu.memory_space<hbm>> -> memref<1x114x128xi32, #tpu.memory_space<hbm>>
      %dma_start3A_45 = tpu.memref_squeeze %dma_start3A_44 : memref<1x114x128xi32, #tpu.memory_space<hbm>> -> memref<114x128xi32, #tpu.memory_space<hbm>>
      tpu.enqueue_dma source(%dma_start3A_45 : memref<114x128xi32, #tpu.memory_space<hbm>>) target(%arg8 : memref<114x128xi32, #tpu.memory_space<vmem>>) target_semaphore(%run_scoped3A : memref<!tpu.dma_semaphore, #tpu.memory_space<semaphore_mem>>)
      %dma_wait3A = arith.constant 0 : i32
      %dma_wait3A_46 = arith.constant 0 : i32
      %dma_wait3A_47 = tpu.memref_slice %arg5[%add3A, %dma_wait3A, %dma_wait3A_46] : memref<32x114x128xi32, #tpu.memory_space<hbm>> -> memref<1x114x128xi32, #tpu.memory_space<hbm>>
      %dma_wait3A_48 = tpu.memref_squeeze %dma_wait3A_47 : memref<1x114x128xi32, #tpu.memory_space<hbm>> -> memref<114x128xi32, #tpu.memory_space<hbm>>
      %dma_wait3A_49 = arith.constant 0 : i32
      %dma_wait3A_50 = arith.constant 0 : i32
      %dma_wait3A_51 = tpu.memref_slice %arg5[%add3A, %dma_wait3A_49, %dma_wait3A_50] : memref<32x114x128xi32, #tpu.memory_space<hbm>> -> memref<1x114x128xi32, #tpu.memory_space<hbm>>
      %dma_wait3A_52 = tpu.memref_squeeze %dma_wait3A_51 : memref<1x114x128xi32, #tpu.memory_space<hbm>> -> memref<114x128xi32, #tpu.memory_space<hbm>>
      tpu.wait_dma2 semaphore(%run_scoped3A : memref<!tpu.dma_semaphore, #tpu.memory_space<semaphore_mem>>) src(%dma_wait3A_52 : memref<114x128xi32, #tpu.memory_space<hbm>>) dst(%arg8 : memref<114x128xi32, #tpu.memory_space<vmem>>)
      tpu.yield
    }) : () -> ()
    %eq3A_5 = arith.constant 0 : i32
    %eq3A_6 = arith.cmpi eq, %arg0, %eq3A_5 : i32
    %convert_element_type3A = arith.extui %eq3A_6 : i1 to i32
    %cond3A = arith.constant 0 : i32
    %cond3A_7 = arith.cmpi ne, %convert_element_type3A, %cond3A : i32
    scf.if %cond3A_7 {
      "tpu.region"() ({
        %run_scoped3A = tpu.sem_alloc : memref<!tpu.dma_semaphore, #tpu.memory_space<semaphore_mem>>
        %dma_start3A_38 = arith.constant 0 : i32
        %dma_start3A_39 = tpu.memref_slice %arg11[%mul3A_2, %dma_start3A_38] : memref<10112x16xf32, #tpu.memory_space<vmem_shared>> -> memref<632x16xf32, #tpu.memory_space<vmem_shared>>
        %dma_start3A_40 = arith.constant 0 : i32
        %dma_start3A_41 = tpu.memref_slice %arg2[%mul3A_2, %dma_start3A_40] : memref<10112x16xf32, #tpu.memory_space<hbm>> -> memref<632x16xf32, #tpu.memory_space<hbm>>
        tpu.enqueue_dma source(%dma_start3A_41 : memref<632x16xf32, #tpu.memory_space<hbm>>) target(%dma_start3A_39 : memref<632x16xf32, #tpu.memory_space<vmem_shared>>) target_semaphore(%run_scoped3A : memref<!tpu.dma_semaphore, #tpu.memory_space<semaphore_mem>>)
        %dma_wait3A = arith.constant 0 : i32
        %dma_wait3A_42 = tpu.memref_slice %arg11[%mul3A_2, %dma_wait3A] : memref<10112x16xf32, #tpu.memory_space<vmem_shared>> -> memref<632x16xf32, #tpu.memory_space<vmem_shared>>
        %dma_wait3A_43 = arith.constant 0 : i32
        %dma_wait3A_44 = tpu.memref_slice %arg2[%mul3A_2, %dma_wait3A_43] : memref<10112x16xf32, #tpu.memory_space<hbm>> -> memref<632x16xf32, #tpu.memory_space<hbm>>
        tpu.wait_dma2 semaphore(%run_scoped3A : memref<!tpu.dma_semaphore, #tpu.memory_space<semaphore_mem>>) src(%dma_wait3A_44 : memref<632x16xf32, #tpu.memory_space<hbm>>) dst(%dma_wait3A_42 : memref<632x16xf32, #tpu.memory_space<vmem_shared>>)
        tpu.yield
      }) : () -> ()
    } else {
    }
    %ne3A = arith.constant 0 : i32
    %ne3A_8 = arith.cmpi ne, %arg0, %ne3A : i32
    %convert_element_type3A_9 = arith.extui %ne3A_8 : i1 to i32
    %cond3A_10 = arith.constant 0 : i32
    %cond3A_11 = arith.cmpi ne, %convert_element_type3A_9, %cond3A_10 : i32
    scf.if %cond3A_11 {
      "tpu.region"() ({
        %run_scoped3A = tpu.sem_alloc : memref<!tpu.dma_semaphore, #tpu.memory_space<semaphore_mem>>
        %dma_start3A_38 = arith.constant 0 : i32
        %dma_start3A_39 = tpu.memref_slice %arg11[%mul3A_2, %dma_start3A_38] : memref<10112x16xf32, #tpu.memory_space<vmem_shared>> -> memref<632x16xf32, #tpu.memory_space<vmem_shared>>
        %dma_start3A_40 = arith.constant 0 : i32
        %dma_start3A_41 = tpu.memref_slice %arg3[%mul3A_2, %dma_start3A_40] : memref<10112x16xf32, #tpu.memory_space<hbm>> -> memref<632x16xf32, #tpu.memory_space<hbm>>
        tpu.enqueue_dma source(%dma_start3A_41 : memref<632x16xf32, #tpu.memory_space<hbm>>) target(%dma_start3A_39 : memref<632x16xf32, #tpu.memory_space<vmem_shared>>) target_semaphore(%run_scoped3A : memref<!tpu.dma_semaphore, #tpu.memory_space<semaphore_mem>>)
        %dma_wait3A = arith.constant 0 : i32
        %dma_wait3A_42 = tpu.memref_slice %arg11[%mul3A_2, %dma_wait3A] : memref<10112x16xf32, #tpu.memory_space<vmem_shared>> -> memref<632x16xf32, #tpu.memory_space<vmem_shared>>
        %dma_wait3A_43 = arith.constant 0 : i32
        %dma_wait3A_44 = tpu.memref_slice %arg3[%mul3A_2, %dma_wait3A_43] : memref<10112x16xf32, #tpu.memory_space<hbm>> -> memref<632x16xf32, #tpu.memory_space<hbm>>
        tpu.wait_dma2 semaphore(%run_scoped3A : memref<!tpu.dma_semaphore, #tpu.memory_space<semaphore_mem>>) src(%dma_wait3A_44 : memref<632x16xf32, #tpu.memory_space<hbm>>) dst(%dma_wait3A_42 : memref<632x16xf32, #tpu.memory_space<vmem_shared>>)
        tpu.yield
      }) : () -> ()
    } else {
    }
    %barrier3A = arith.constant 0 : index
    tpu.barrier barrier_id(%barrier3A)
    %dma_start3A = arith.constant 0 : i32
    %dma_start3A_12 = tpu.memref_slice %arg7[%dma_start3A] : memref<14592xi32, #tpu.memory_space<vmem>> -> memref<128xi32, #tpu.memory_space<vmem>>
    %dma_start3A_13 = arith.constant 0 : i32
    %dma_start3A_14 = arith.constant 0 : i32
    %dma_start3A_15 = tpu.memref_slice %arg2[%dma_start3A_13, %dma_start3A_14] : memref<10112x16xf32, #tpu.memory_space<hbm>> -> memref<10112x16xf32, #tpu.memory_space<hbm>>
    tpu.enqueue_indirect_dma source(%dma_start3A_15 : memref<10112x16xf32, #tpu.memory_space<hbm>>) target(%arg9 : memref<128x16xf32, #tpu.memory_space<vmem>>) offsets(%dma_start3A_12 : memref<128xi32, #tpu.memory_space<vmem>>) semaphore(%arg12 : memref<!tpu.dma_semaphore, #tpu.memory_space<semaphore_mem>>)
    %dma_start3A_16 = arith.constant 128 : i32
    %dma_start3A_17 = tpu.memref_slice %arg7[%dma_start3A_16] : memref<14592xi32, #tpu.memory_space<vmem>> -> memref<128xi32, #tpu.memory_space<vmem>>
    %dma_start3A_18 = arith.constant 0 : i32
    %dma_start3A_19 = arith.constant 0 : i32
    %dma_start3A_20 = tpu.memref_slice %arg2[%dma_start3A_18, %dma_start3A_19] : memref<10112x16xf32, #tpu.memory_space<hbm>> -> memref<10112x16xf32, #tpu.memory_space<hbm>>
    tpu.enqueue_indirect_dma source(%dma_start3A_20 : memref<10112x16xf32, #tpu.memory_space<hbm>>) target(%arg10 : memref<128x16xf32, #tpu.memory_space<vmem>>) offsets(%dma_start3A_17 : memref<128xi32, #tpu.memory_space<vmem>>) semaphore(%arg13 : memref<!tpu.dma_semaphore, #tpu.memory_space<semaphore_mem>>)
    %sub3A = arith.constant 0 : i32
    %sub3A_21 = arith.subi %select_n3A, %sub3A : i32
    %sub3A_22 = arith.constant 2 : i32
    %sub3A_23 = arith.constant 1 : i32
    %sub3A_24 = arith.subi %sub3A_22, %sub3A_23 : i32
    %add3A_25 = arith.addi %sub3A_21, %sub3A_24 : i32
    %div3A = arith.constant 2 : i32
    %div3A_26 = arith.divsi %add3A_25, %div3A : i32
    %while3A = arith.constant 2 : i32
    %while3A_27 = arith.constant 0 : i32
    %while3A_28 = arith.constant 0 : i32
    %while3A_29 = arith.subi %div3A_26, %while3A_28 : i32
    %while3A_30 = arith.addi %while3A_28, %while3A_29 : i32
    %while3A_31 = arith.constant 1 : i32
    %while3A_32 = arith.divsi %while3A_29, %while3A_31 : i32
    %while3A_33 = arith.muli %while3A_32, %while3A_31 : i32
    %while3A_34 = arith.addi %while3A_28, %while3A_33 : i32
    %while3A_35 = arith.constant 1 : i32
    scf.for %while3A_38 = %while3A_28 to %while3A_34 step %while3A_35  : i32 {
      %mul3A_39 = arith.muli %while3A_38, %while3A : i32
      %add3A_40 = arith.addi %while3A_27, %mul3A_39 : i32
      %add3A_41 = arith.constant 0 : i32
      %add3A_42 = arith.addi %add3A_40, %add3A_41 : i32
      %mul3A_43 = arith.constant 128 : i32
      %mul3A_44 = arith.muli %add3A_42, %mul3A_43 : i32
      %dma_wait3A = tpu.memref_slice %arg7[%mul3A_44] : memref<14592xi32, #tpu.memory_space<vmem>> -> memref<128xi32, #tpu.memory_space<vmem>>
      %dma_wait3A_45 = arith.constant 0 : i32
      %dma_wait3A_46 = arith.constant 0 : i32
      %dma_wait3A_47 = tpu.memref_slice %arg2[%dma_wait3A_45, %dma_wait3A_46] : memref<10112x16xf32, #tpu.memory_space<hbm>> -> memref<10112x16xf32, #tpu.memory_space<hbm>>
      tpu.wait_indirect_dma semaphore(%arg12 : memref<!tpu.dma_semaphore, #tpu.memory_space<semaphore_mem>>) src(%dma_wait3A_47 : memref<10112x16xf32, #tpu.memory_space<hbm>>) dst(%arg9 : memref<128x16xf32, #tpu.memory_space<vmem>>)
      "tpu.region"() ({
        %run_scoped3A = tpu.sem_alloc : memref<!tpu.dma_semaphore, #tpu.memory_space<semaphore_mem>>
        %dma_start3A_67 = arith.constant 0 : i32
        %dma_start3A_68 = tpu.memref_slice %arg8[%add3A_42, %dma_start3A_67] : memref<114x128xi32, #tpu.memory_space<vmem>> -> memref<1x128xi32, #tpu.memory_space<vmem>>
        %dma_start3A_69 = tpu.memref_squeeze %dma_start3A_68 : memref<1x128xi32, #tpu.memory_space<vmem>> -> memref<128xi32, #tpu.memory_space<vmem>>
        %dma_start3A_70 = arith.constant 0 : i32
        %dma_start3A_71 = arith.constant 0 : i32
        %dma_start3A_72 = tpu.memref_slice %arg11[%dma_start3A_70, %dma_start3A_71] : memref<10112x16xf32, #tpu.memory_space<vmem_shared>> -> memref<10112x16xf32, #tpu.memory_space<vmem_shared>>
        tpu.enqueue_indirect_dma source(%arg9 : memref<128x16xf32, #tpu.memory_space<vmem>>) target(%dma_start3A_72 : memref<10112x16xf32, #tpu.memory_space<vmem_shared>>) offsets(%dma_start3A_69 : memref<128xi32, #tpu.memory_space<vmem>>) semaphore(%run_scoped3A : memref<!tpu.dma_semaphore, #tpu.memory_space<semaphore_mem>>) {add = true}
        %dma_wait3A_73 = arith.constant 0 : i32
        %dma_wait3A_74 = tpu.memref_slice %arg8[%add3A_42, %dma_wait3A_73] : memref<114x128xi32, #tpu.memory_space<vmem>> -> memref<1x128xi32, #tpu.memory_space<vmem>>
        %dma_wait3A_75 = tpu.memref_squeeze %dma_wait3A_74 : memref<1x128xi32, #tpu.memory_space<vmem>> -> memref<128xi32, #tpu.memory_space<vmem>>
        %dma_wait3A_76 = arith.constant 0 : i32
        %dma_wait3A_77 = arith.constant 0 : i32
        %dma_wait3A_78 = tpu.memref_slice %arg11[%dma_wait3A_76, %dma_wait3A_77] : memref<10112x16xf32, #tpu.memory_space<vmem_shared>> -> memref<10112x16xf32, #tpu.memory_space<vmem_shared>>
        tpu.wait_indirect_dma semaphore(%run_scoped3A : memref<!tpu.dma_semaphore, #tpu.memory_space<semaphore_mem>>) src(%arg9 : memref<128x16xf32, #tpu.memory_space<vmem>>) dst(%dma_wait3A_78 : memref<10112x16xf32, #tpu.memory_space<vmem_shared>>)
        tpu.yield
      }) : () -> ()
      %add3A_48 = arith.constant 2 : i32
      %add3A_49 = arith.addi %add3A_42, %add3A_48 : i32
      %lt3A = arith.cmpi slt, %add3A_49, %select_n3A : i32
      %convert_element_type3A_50 = arith.extui %lt3A : i1 to i32
      %cond3A_51 = arith.constant 0 : i32
      %cond3A_52 = arith.cmpi ne, %convert_element_type3A_50, %cond3A_51 : i32
      scf.if %cond3A_52 {
        %add3A_67 = arith.constant 2 : i32
        %add3A_68 = arith.addi %add3A_42, %add3A_67 : i32
        %mul3A_69 = arith.constant 128 : i32
        %mul3A_70 = arith.muli %add3A_68, %mul3A_69 : i32
        %dma_start3A_71 = tpu.memref_slice %arg7[%mul3A_70] : memref<14592xi32, #tpu.memory_space<vmem>> -> memref<128xi32, #tpu.memory_space<vmem>>
        %dma_start3A_72 = arith.constant 0 : i32
        %dma_start3A_73 = arith.constant 0 : i32
        %dma_start3A_74 = tpu.memref_slice %arg2[%dma_start3A_72, %dma_start3A_73] : memref<10112x16xf32, #tpu.memory_space<hbm>> -> memref<10112x16xf32, #tpu.memory_space<hbm>>
        tpu.enqueue_indirect_dma source(%dma_start3A_74 : memref<10112x16xf32, #tpu.memory_space<hbm>>) target(%arg9 : memref<128x16xf32, #tpu.memory_space<vmem>>) offsets(%dma_start3A_71 : memref<128xi32, #tpu.memory_space<vmem>>) semaphore(%arg12 : memref<!tpu.dma_semaphore, #tpu.memory_space<semaphore_mem>>)
      } else {
      }
      %add3A_53 = arith.constant 1 : i32
      %add3A_54 = arith.addi %add3A_40, %add3A_53 : i32
      %mul3A_55 = arith.constant 128 : i32
      %mul3A_56 = arith.muli %add3A_54, %mul3A_55 : i32
      %dma_wait3A_57 = tpu.memref_slice %arg7[%mul3A_56] : memref<14592xi32, #tpu.memory_space<vmem>> -> memref<128xi32, #tpu.memory_space<vmem>>
      %dma_wait3A_58 = arith.constant 0 : i32
      %dma_wait3A_59 = arith.constant 0 : i32
      %dma_wait3A_60 = tpu.memref_slice %arg2[%dma_wait3A_58, %dma_wait3A_59] : memref<10112x16xf32, #tpu.memory_space<hbm>> -> memref<10112x16xf32, #tpu.memory_space<hbm>>
      tpu.wait_indirect_dma semaphore(%arg13 : memref<!tpu.dma_semaphore, #tpu.memory_space<semaphore_mem>>) src(%dma_wait3A_60 : memref<10112x16xf32, #tpu.memory_space<hbm>>) dst(%arg10 : memref<128x16xf32, #tpu.memory_space<vmem>>)
      "tpu.region"() ({
        %run_scoped3A = tpu.sem_alloc : memref<!tpu.dma_semaphore, #tpu.memory_space<semaphore_mem>>
        %dma_start3A_67 = arith.constant 0 : i32
        %dma_start3A_68 = tpu.memref_slice %arg8[%add3A_54, %dma_start3A_67] : memref<114x128xi32, #tpu.memory_space<vmem>> -> memref<1x128xi32, #tpu.memory_space<vmem>>
        %dma_start3A_69 = tpu.memref_squeeze %dma_start3A_68 : memref<1x128xi32, #tpu.memory_space<vmem>> -> memref<128xi32, #tpu.memory_space<vmem>>
        %dma_start3A_70 = arith.constant 0 : i32
        %dma_start3A_71 = arith.constant 0 : i32
        %dma_start3A_72 = tpu.memref_slice %arg11[%dma_start3A_70, %dma_start3A_71] : memref<10112x16xf32, #tpu.memory_space<vmem_shared>> -> memref<10112x16xf32, #tpu.memory_space<vmem_shared>>
        tpu.enqueue_indirect_dma source(%arg10 : memref<128x16xf32, #tpu.memory_space<vmem>>) target(%dma_start3A_72 : memref<10112x16xf32, #tpu.memory_space<vmem_shared>>) offsets(%dma_start3A_69 : memref<128xi32, #tpu.memory_space<vmem>>) semaphore(%run_scoped3A : memref<!tpu.dma_semaphore, #tpu.memory_space<semaphore_mem>>) {add = true}
        %dma_wait3A_73 = arith.constant 0 : i32
        %dma_wait3A_74 = tpu.memref_slice %arg8[%add3A_54, %dma_wait3A_73] : memref<114x128xi32, #tpu.memory_space<vmem>> -> memref<1x128xi32, #tpu.memory_space<vmem>>
        %dma_wait3A_75 = tpu.memref_squeeze %dma_wait3A_74 : memref<1x128xi32, #tpu.memory_space<vmem>> -> memref<128xi32, #tpu.memory_space<vmem>>
        %dma_wait3A_76 = arith.constant 0 : i32
        %dma_wait3A_77 = arith.constant 0 : i32
        %dma_wait3A_78 = tpu.memref_slice %arg11[%dma_wait3A_76, %dma_wait3A_77] : memref<10112x16xf32, #tpu.memory_space<vmem_shared>> -> memref<10112x16xf32, #tpu.memory_space<vmem_shared>>
        tpu.wait_indirect_dma semaphore(%run_scoped3A : memref<!tpu.dma_semaphore, #tpu.memory_space<semaphore_mem>>) src(%arg10 : memref<128x16xf32, #tpu.memory_space<vmem>>) dst(%dma_wait3A_78 : memref<10112x16xf32, #tpu.memory_space<vmem_shared>>)
        tpu.yield
      }) : () -> ()
      %add3A_61 = arith.constant 2 : i32
      %add3A_62 = arith.addi %add3A_54, %add3A_61 : i32
      %lt3A_63 = arith.cmpi slt, %add3A_62, %select_n3A : i32
      %convert_element_type3A_64 = arith.extui %lt3A_63 : i1 to i32
      %cond3A_65 = arith.constant 0 : i32
      %cond3A_66 = arith.cmpi ne, %convert_element_type3A_64, %cond3A_65 : i32
      scf.if %cond3A_66 {
        %add3A_67 = arith.constant 2 : i32
        %add3A_68 = arith.addi %add3A_54, %add3A_67 : i32
        %mul3A_69 = arith.constant 128 : i32
        %mul3A_70 = arith.muli %add3A_68, %mul3A_69 : i32
        %dma_start3A_71 = tpu.memref_slice %arg7[%mul3A_70] : memref<14592xi32, #tpu.memory_space<vmem>> -> memref<128xi32, #tpu.memory_space<vmem>>
        %dma_start3A_72 = arith.constant 0 : i32
        %dma_start3A_73 = arith.constant 0 : i32
        %dma_start3A_74 = tpu.memref_slice %arg2[%dma_start3A_72, %dma_start3A_73] : memref<10112x16xf32, #tpu.memory_space<hbm>> -> memref<10112x16xf32, #tpu.memory_space<hbm>>
        tpu.enqueue_indirect_dma source(%dma_start3A_74 : memref<10112x16xf32, #tpu.memory_space<hbm>>) target(%arg10 : memref<128x16xf32, #tpu.memory_space<vmem>>) offsets(%dma_start3A_71 : memref<128xi32, #tpu.memory_space<vmem>>) semaphore(%arg13 : memref<!tpu.dma_semaphore, #tpu.memory_space<semaphore_mem>>)
      } else {
      }
    }
    %while3A_36 = arith.constant 1 : i32
    scf.for %while3A_38 = %while3A_34 to %while3A_30 step %while3A_36  : i32 {
      %mul3A_39 = arith.muli %while3A_38, %while3A : i32
      %add3A_40 = arith.addi %while3A_27, %mul3A_39 : i32
      %add3A_41 = arith.constant 0 : i32
      %add3A_42 = arith.addi %add3A_40, %add3A_41 : i32
      %mul3A_43 = arith.constant 128 : i32
      %mul3A_44 = arith.muli %add3A_42, %mul3A_43 : i32
      %dma_wait3A = tpu.memref_slice %arg7[%mul3A_44] : memref<14592xi32, #tpu.memory_space<vmem>> -> memref<128xi32, #tpu.memory_space<vmem>>
      %dma_wait3A_45 = arith.constant 0 : i32
      %dma_wait3A_46 = arith.constant 0 : i32
      %dma_wait3A_47 = tpu.memref_slice %arg2[%dma_wait3A_45, %dma_wait3A_46] : memref<10112x16xf32, #tpu.memory_space<hbm>> -> memref<10112x16xf32, #tpu.memory_space<hbm>>
      tpu.wait_indirect_dma semaphore(%arg12 : memref<!tpu.dma_semaphore, #tpu.memory_space<semaphore_mem>>) src(%dma_wait3A_47 : memref<10112x16xf32, #tpu.memory_space<hbm>>) dst(%arg9 : memref<128x16xf32, #tpu.memory_space<vmem>>)
      "tpu.region"() ({
        %run_scoped3A = tpu.sem_alloc : memref<!tpu.dma_semaphore, #tpu.memory_space<semaphore_mem>>
        %dma_start3A_67 = arith.constant 0 : i32
        %dma_start3A_68 = tpu.memref_slice %arg8[%add3A_42, %dma_start3A_67] : memref<114x128xi32, #tpu.memory_space<vmem>> -> memref<1x128xi32, #tpu.memory_space<vmem>>
        %dma_start3A_69 = tpu.memref_squeeze %dma_start3A_68 : memref<1x128xi32, #tpu.memory_space<vmem>> -> memref<128xi32, #tpu.memory_space<vmem>>
        %dma_start3A_70 = arith.constant 0 : i32
        %dma_start3A_71 = arith.constant 0 : i32
        %dma_start3A_72 = tpu.memref_slice %arg11[%dma_start3A_70, %dma_start3A_71] : memref<10112x16xf32, #tpu.memory_space<vmem_shared>> -> memref<10112x16xf32, #tpu.memory_space<vmem_shared>>
        tpu.enqueue_indirect_dma source(%arg9 : memref<128x16xf32, #tpu.memory_space<vmem>>) target(%dma_start3A_72 : memref<10112x16xf32, #tpu.memory_space<vmem_shared>>) offsets(%dma_start3A_69 : memref<128xi32, #tpu.memory_space<vmem>>) semaphore(%run_scoped3A : memref<!tpu.dma_semaphore, #tpu.memory_space<semaphore_mem>>) {add = true}
        %dma_wait3A_73 = arith.constant 0 : i32
        %dma_wait3A_74 = tpu.memref_slice %arg8[%add3A_42, %dma_wait3A_73] : memref<114x128xi32, #tpu.memory_space<vmem>> -> memref<1x128xi32, #tpu.memory_space<vmem>>
        %dma_wait3A_75 = tpu.memref_squeeze %dma_wait3A_74 : memref<1x128xi32, #tpu.memory_space<vmem>> -> memref<128xi32, #tpu.memory_space<vmem>>
        %dma_wait3A_76 = arith.constant 0 : i32
        %dma_wait3A_77 = arith.constant 0 : i32
        %dma_wait3A_78 = tpu.memref_slice %arg11[%dma_wait3A_76, %dma_wait3A_77] : memref<10112x16xf32, #tpu.memory_space<vmem_shared>> -> memref<10112x16xf32, #tpu.memory_space<vmem_shared>>
        tpu.wait_indirect_dma semaphore(%run_scoped3A : memref<!tpu.dma_semaphore, #tpu.memory_space<semaphore_mem>>) src(%arg9 : memref<128x16xf32, #tpu.memory_space<vmem>>) dst(%dma_wait3A_78 : memref<10112x16xf32, #tpu.memory_space<vmem_shared>>)
        tpu.yield
      }) : () -> ()
      %add3A_48 = arith.constant 2 : i32
      %add3A_49 = arith.addi %add3A_42, %add3A_48 : i32
      %lt3A = arith.cmpi slt, %add3A_49, %select_n3A : i32
      %convert_element_type3A_50 = arith.extui %lt3A : i1 to i32
      %cond3A_51 = arith.constant 0 : i32
      %cond3A_52 = arith.cmpi ne, %convert_element_type3A_50, %cond3A_51 : i32
      scf.if %cond3A_52 {
        %add3A_67 = arith.constant 2 : i32
        %add3A_68 = arith.addi %add3A_42, %add3A_67 : i32
        %mul3A_69 = arith.constant 128 : i32
        %mul3A_70 = arith.muli %add3A_68, %mul3A_69 : i32
        %dma_start3A_71 = tpu.memref_slice %arg7[%mul3A_70] : memref<14592xi32, #tpu.memory_space<vmem>> -> memref<128xi32, #tpu.memory_space<vmem>>
        %dma_start3A_72 = arith.constant 0 : i32
        %dma_start3A_73 = arith.constant 0 : i32
        %dma_start3A_74 = tpu.memref_slice %arg2[%dma_start3A_72, %dma_start3A_73] : memref<10112x16xf32, #tpu.memory_space<hbm>> -> memref<10112x16xf32, #tpu.memory_space<hbm>>
        tpu.enqueue_indirect_dma source(%dma_start3A_74 : memref<10112x16xf32, #tpu.memory_space<hbm>>) target(%arg9 : memref<128x16xf32, #tpu.memory_space<vmem>>) offsets(%dma_start3A_71 : memref<128xi32, #tpu.memory_space<vmem>>) semaphore(%arg12 : memref<!tpu.dma_semaphore, #tpu.memory_space<semaphore_mem>>)
      } else {
      }
      %add3A_53 = arith.constant 1 : i32
      %add3A_54 = arith.addi %add3A_40, %add3A_53 : i32
      %mul3A_55 = arith.constant 128 : i32
      %mul3A_56 = arith.muli %add3A_54, %mul3A_55 : i32
      %dma_wait3A_57 = tpu.memref_slice %arg7[%mul3A_56] : memref<14592xi32, #tpu.memory_space<vmem>> -> memref<128xi32, #tpu.memory_space<vmem>>
      %dma_wait3A_58 = arith.constant 0 : i32
      %dma_wait3A_59 = arith.constant 0 : i32
      %dma_wait3A_60 = tpu.memref_slice %arg2[%dma_wait3A_58, %dma_wait3A_59] : memref<10112x16xf32, #tpu.memory_space<hbm>> -> memref<10112x16xf32, #tpu.memory_space<hbm>>
      tpu.wait_indirect_dma semaphore(%arg13 : memref<!tpu.dma_semaphore, #tpu.memory_space<semaphore_mem>>) src(%dma_wait3A_60 : memref<10112x16xf32, #tpu.memory_space<hbm>>) dst(%arg10 : memref<128x16xf32, #tpu.memory_space<vmem>>)
      "tpu.region"() ({
        %run_scoped3A = tpu.sem_alloc : memref<!tpu.dma_semaphore, #tpu.memory_space<semaphore_mem>>
        %dma_start3A_67 = arith.constant 0 : i32
        %dma_start3A_68 = tpu.memref_slice %arg8[%add3A_54, %dma_start3A_67] : memref<114x128xi32, #tpu.memory_space<vmem>> -> memref<1x128xi32, #tpu.memory_space<vmem>>
        %dma_start3A_69 = tpu.memref_squeeze %dma_start3A_68 : memref<1x128xi32, #tpu.memory_space<vmem>> -> memref<128xi32, #tpu.memory_space<vmem>>
        %dma_start3A_70 = arith.constant 0 : i32
        %dma_start3A_71 = arith.constant 0 : i32
        %dma_start3A_72 = tpu.memref_slice %arg11[%dma_start3A_70, %dma_start3A_71] : memref<10112x16xf32, #tpu.memory_space<vmem_shared>> -> memref<10112x16xf32, #tpu.memory_space<vmem_shared>>
        tpu.enqueue_indirect_dma source(%arg10 : memref<128x16xf32, #tpu.memory_space<vmem>>) target(%dma_start3A_72 : memref<10112x16xf32, #tpu.memory_space<vmem_shared>>) offsets(%dma_start3A_69 : memref<128xi32, #tpu.memory_space<vmem>>) semaphore(%run_scoped3A : memref<!tpu.dma_semaphore, #tpu.memory_space<semaphore_mem>>) {add = true}
        %dma_wait3A_73 = arith.constant 0 : i32
        %dma_wait3A_74 = tpu.memref_slice %arg8[%add3A_54, %dma_wait3A_73] : memref<114x128xi32, #tpu.memory_space<vmem>> -> memref<1x128xi32, #tpu.memory_space<vmem>>
        %dma_wait3A_75 = tpu.memref_squeeze %dma_wait3A_74 : memref<1x128xi32, #tpu.memory_space<vmem>> -> memref<128xi32, #tpu.memory_space<vmem>>
        %dma_wait3A_76 = arith.constant 0 : i32
        %dma_wait3A_77 = arith.constant 0 : i32
        %dma_wait3A_78 = tpu.memref_slice %arg11[%dma_wait3A_76, %dma_wait3A_77] : memref<10112x16xf32, #tpu.memory_space<vmem_shared>> -> memref<10112x16xf32, #tpu.memory_space<vmem_shared>>
        tpu.wait_indirect_dma semaphore(%run_scoped3A : memref<!tpu.dma_semaphore, #tpu.memory_space<semaphore_mem>>) src(%arg10 : memref<128x16xf32, #tpu.memory_space<vmem>>) dst(%dma_wait3A_78 : memref<10112x16xf32, #tpu.memory_space<vmem_shared>>)
        tpu.yield
      }) : () -> ()
      %add3A_61 = arith.constant 2 : i32
      %add3A_62 = arith.addi %add3A_54, %add3A_61 : i32
      %lt3A_63 = arith.cmpi slt, %add3A_62, %select_n3A : i32
      %convert_element_type3A_64 = arith.extui %lt3A_63 : i1 to i32
      %cond3A_65 = arith.constant 0 : i32
      %cond3A_66 = arith.cmpi ne, %convert_element_type3A_64, %cond3A_65 : i32
      scf.if %cond3A_66 {
        %add3A_67 = arith.constant 2 : i32
        %add3A_68 = arith.addi %add3A_54, %add3A_67 : i32
        %mul3A_69 = arith.constant 128 : i32
        %mul3A_70 = arith.muli %add3A_68, %mul3A_69 : i32
        %dma_start3A_71 = tpu.memref_slice %arg7[%mul3A_70] : memref<14592xi32, #tpu.memory_space<vmem>> -> memref<128xi32, #tpu.memory_space<vmem>>
        %dma_start3A_72 = arith.constant 0 : i32
        %dma_start3A_73 = arith.constant 0 : i32
        %dma_start3A_74 = tpu.memref_slice %arg2[%dma_start3A_72, %dma_start3A_73] : memref<10112x16xf32, #tpu.memory_space<hbm>> -> memref<10112x16xf32, #tpu.memory_space<hbm>>
        tpu.enqueue_indirect_dma source(%dma_start3A_74 : memref<10112x16xf32, #tpu.memory_space<hbm>>) target(%arg10 : memref<128x16xf32, #tpu.memory_space<vmem>>) offsets(%dma_start3A_71 : memref<128xi32, #tpu.memory_space<vmem>>) semaphore(%arg13 : memref<!tpu.dma_semaphore, #tpu.memory_space<semaphore_mem>>)
      } else {
      }
    }
    %barrier3A_37 = arith.constant 0 : index
    tpu.barrier barrier_id(%barrier3A_37)
    "tpu.region"() ({
      %run_scoped3A = tpu.sem_alloc : memref<!tpu.dma_semaphore, #tpu.memory_space<semaphore_mem>>
      %dma_start3A_38 = arith.constant 0 : i32
      %dma_start3A_39 = arith.constant 0 : i32
      %dma_start3A_40 = tpu.memref_slice %arg6[%arg0, %dma_start3A_38, %dma_start3A_39] : memref<2x10112x16xf32, #tpu.memory_space<hbm>> -> memref<1x10112x16xf32, #tpu.memory_space<hbm>>
      %dma_start3A_41 = tpu.memref_squeeze %dma_start3A_40 : memref<1x10112x16xf32, #tpu.memory_space<hbm>> -> memref<10112x16xf32, #tpu.memory_space<hbm>>
      %dma_start3A_42 = arith.constant 0 : i32
      %dma_start3A_43 = tpu.memref_slice %dma_start3A_41[%mul3A_2, %dma_start3A_42] : memref<10112x16xf32, #tpu.memory_space<hbm>> -> memref<632x16xf32, #tpu.memory_space<hbm>>
      %dma_start3A_44 = arith.constant 0 : i32
      %dma_start3A_45 = tpu.memref_slice %arg11[%mul3A_2, %dma_start3A_44] : memref<10112x16xf32, #tpu.memory_space<vmem_shared>> -> memref<632x16xf32, #tpu.memory_space<vmem_shared>>
      tpu.enqueue_dma source(%dma_start3A_45 : memref<632x16xf32, #tpu.memory_space<vmem_shared>>) target(%dma_start3A_43 : memref<632x16xf32, #tpu.memory_space<hbm>>) target_semaphore(%run_scoped3A : memref<!tpu.dma_semaphore, #tpu.memory_space<semaphore_mem>>)
      %dma_wait3A = arith.constant 0 : i32
      %dma_wait3A_46 = arith.constant 0 : i32
      %dma_wait3A_47 = tpu.memref_slice %arg6[%arg0, %dma_wait3A, %dma_wait3A_46] : memref<2x10112x16xf32, #tpu.memory_space<hbm>> -> memref<1x10112x16xf32, #tpu.memory_space<hbm>>
      %dma_wait3A_48 = tpu.memref_squeeze %dma_wait3A_47 : memref<1x10112x16xf32, #tpu.memory_space<hbm>> -> memref<10112x16xf32, #tpu.memory_space<hbm>>
      %dma_wait3A_49 = arith.constant 0 : i32
      %dma_wait3A_50 = tpu.memref_slice %dma_wait3A_48[%mul3A_2, %dma_wait3A_49] : memref<10112x16xf32, #tpu.memory_space<hbm>> -> memref<632x16xf32, #tpu.memory_space<hbm>>
      %dma_wait3A_51 = arith.constant 0 : i32
      %dma_wait3A_52 = tpu.memref_slice %arg11[%mul3A_2, %dma_wait3A_51] : memref<10112x16xf32, #tpu.memory_space<vmem_shared>> -> memref<632x16xf32, #tpu.memory_space<vmem_shared>>
      tpu.wait_dma2 semaphore(%run_scoped3A : memref<!tpu.dma_semaphore, #tpu.memory_space<semaphore_mem>>) src(%dma_wait3A_52 : memref<632x16xf32, #tpu.memory_space<vmem_shared>>) dst(%dma_wait3A_50 : memref<632x16xf32, #tpu.memory_space<hbm>>)
      tpu.yield
    }) : () -> ()
    return
  }
}

#map = affine_map<(d0, d1) -> (0, 0, 0)>
#map1 = affine_map<(d0, d1) -> (0, 0)>
module attributes {stable_mosaic.version = 14 : i64} {
  func.func @_hist(%arg0: i32, %arg1: i32, %arg2: memref<32x80x128xi32, #tpu.memory_space<hbm>>, %arg3: memref<128x16xf32, #tpu.memory_space<hbm>>, %arg4: memref<10112x16xf32, #tpu.memory_space<hbm>>, %arg5: memref<2x10112x16xf32, #tpu.memory_space<hbm>>, %arg6: memref<80x128xi32, #tpu.memory_space<vmem>>, %arg7: memref<128x16xf32, #tpu.memory_space<vmem>>, %arg8: memref<10112x16xf32, #tpu.memory_space<vmem_shared>>) attributes {dimension_semantics = [#tpu.dimension_semantics<core_parallel>, #tpu.dimension_semantics<subcore_parallel>], iteration_bounds = array<i64: 2, 16>, scalar_prefetch = 0 : i64, scratch_operands = 3 : i64, tpu.core_type = #tpu.core_type<sc_vector_subcore>, window_params = [{transform_indices = #map}, {transform_indices = #map1}, {transform_indices = #map1}, {transform_indices = #map}]} {
    %mul3A = arith.constant 16 : i32
    %mul3A_0 = arith.muli %arg0, %mul3A : i32
    %add3A = arith.addi %mul3A_0, %arg1 : i32
    %mul3A_1 = arith.constant 632 : i32
    %mul3A_2 = arith.muli %arg1, %mul3A_1 : i32
    "tpu.region"() ({
      %run_scoped3A = tpu.sem_alloc : memref<!tpu.dma_semaphore, #tpu.memory_space<semaphore_mem>>
      %dma_start3A = arith.constant 0 : i32
      %dma_start3A_8 = arith.constant 0 : i32
      %dma_start3A_9 = tpu.memref_slice %arg2[%add3A, %dma_start3A, %dma_start3A_8] : memref<32x80x128xi32, #tpu.memory_space<hbm>> -> memref<1x80x128xi32, #tpu.memory_space<hbm>>
      %dma_start3A_10 = tpu.memref_squeeze %dma_start3A_9 : memref<1x80x128xi32, #tpu.memory_space<hbm>> -> memref<80x128xi32, #tpu.memory_space<hbm>>
      %dma_start3A_11 = arith.constant 0 : i32
      %dma_start3A_12 = arith.constant 0 : i32
      %dma_start3A_13 = tpu.memref_slice %arg2[%add3A, %dma_start3A_11, %dma_start3A_12] : memref<32x80x128xi32, #tpu.memory_space<hbm>> -> memref<1x80x128xi32, #tpu.memory_space<hbm>>
      %dma_start3A_14 = tpu.memref_squeeze %dma_start3A_13 : memref<1x80x128xi32, #tpu.memory_space<hbm>> -> memref<80x128xi32, #tpu.memory_space<hbm>>
      tpu.enqueue_dma source(%dma_start3A_14 : memref<80x128xi32, #tpu.memory_space<hbm>>) target(%arg6 : memref<80x128xi32, #tpu.memory_space<vmem>>) target_semaphore(%run_scoped3A : memref<!tpu.dma_semaphore, #tpu.memory_space<semaphore_mem>>)
      %dma_wait3A = arith.constant 0 : i32
      %dma_wait3A_15 = arith.constant 0 : i32
      %dma_wait3A_16 = tpu.memref_slice %arg2[%add3A, %dma_wait3A, %dma_wait3A_15] : memref<32x80x128xi32, #tpu.memory_space<hbm>> -> memref<1x80x128xi32, #tpu.memory_space<hbm>>
      %dma_wait3A_17 = tpu.memref_squeeze %dma_wait3A_16 : memref<1x80x128xi32, #tpu.memory_space<hbm>> -> memref<80x128xi32, #tpu.memory_space<hbm>>
      %dma_wait3A_18 = arith.constant 0 : i32
      %dma_wait3A_19 = arith.constant 0 : i32
      %dma_wait3A_20 = tpu.memref_slice %arg2[%add3A, %dma_wait3A_18, %dma_wait3A_19] : memref<32x80x128xi32, #tpu.memory_space<hbm>> -> memref<1x80x128xi32, #tpu.memory_space<hbm>>
      %dma_wait3A_21 = tpu.memref_squeeze %dma_wait3A_20 : memref<1x80x128xi32, #tpu.memory_space<hbm>> -> memref<80x128xi32, #tpu.memory_space<hbm>>
      tpu.wait_dma2 semaphore(%run_scoped3A : memref<!tpu.dma_semaphore, #tpu.memory_space<semaphore_mem>>) src(%dma_wait3A_21 : memref<80x128xi32, #tpu.memory_space<hbm>>) dst(%arg6 : memref<80x128xi32, #tpu.memory_space<vmem>>)
      tpu.yield
    }) : () -> ()
    "tpu.region"() ({
      %run_scoped3A = tpu.sem_alloc : memref<!tpu.dma_semaphore, #tpu.memory_space<semaphore_mem>>
      tpu.enqueue_dma source(%arg3 : memref<128x16xf32, #tpu.memory_space<hbm>>) target(%arg7 : memref<128x16xf32, #tpu.memory_space<vmem>>) target_semaphore(%run_scoped3A : memref<!tpu.dma_semaphore, #tpu.memory_space<semaphore_mem>>)
      tpu.wait_dma2 semaphore(%run_scoped3A : memref<!tpu.dma_semaphore, #tpu.memory_space<semaphore_mem>>) src(%arg3 : memref<128x16xf32, #tpu.memory_space<hbm>>) dst(%arg7 : memref<128x16xf32, #tpu.memory_space<vmem>>)
      tpu.yield
    }) : () -> ()
    "tpu.region"() ({
      %run_scoped3A = tpu.sem_alloc : memref<!tpu.dma_semaphore, #tpu.memory_space<semaphore_mem>>
      %dma_start3A = arith.constant 0 : i32
      %dma_start3A_8 = tpu.memref_slice %arg8[%mul3A_2, %dma_start3A] : memref<10112x16xf32, #tpu.memory_space<vmem_shared>> -> memref<632x16xf32, #tpu.memory_space<vmem_shared>>
      %dma_start3A_9 = arith.constant 0 : i32
      %dma_start3A_10 = tpu.memref_slice %arg4[%mul3A_2, %dma_start3A_9] : memref<10112x16xf32, #tpu.memory_space<hbm>> -> memref<632x16xf32, #tpu.memory_space<hbm>>
      tpu.enqueue_dma source(%dma_start3A_10 : memref<632x16xf32, #tpu.memory_space<hbm>>) target(%dma_start3A_8 : memref<632x16xf32, #tpu.memory_space<vmem_shared>>) target_semaphore(%run_scoped3A : memref<!tpu.dma_semaphore, #tpu.memory_space<semaphore_mem>>)
      %dma_wait3A = arith.constant 0 : i32
      %dma_wait3A_11 = tpu.memref_slice %arg8[%mul3A_2, %dma_wait3A] : memref<10112x16xf32, #tpu.memory_space<vmem_shared>> -> memref<632x16xf32, #tpu.memory_space<vmem_shared>>
      %dma_wait3A_12 = arith.constant 0 : i32
      %dma_wait3A_13 = tpu.memref_slice %arg4[%mul3A_2, %dma_wait3A_12] : memref<10112x16xf32, #tpu.memory_space<hbm>> -> memref<632x16xf32, #tpu.memory_space<hbm>>
      tpu.wait_dma2 semaphore(%run_scoped3A : memref<!tpu.dma_semaphore, #tpu.memory_space<semaphore_mem>>) src(%dma_wait3A_13 : memref<632x16xf32, #tpu.memory_space<hbm>>) dst(%dma_wait3A_11 : memref<632x16xf32, #tpu.memory_space<vmem_shared>>)
      tpu.yield
    }) : () -> ()
    %barrier3A = arith.constant 0 : index
    tpu.barrier barrier_id(%barrier3A)
    %scan3A = arith.constant 0 : i32
    %scan3A_3 = arith.constant 80 : i32
    %scan3A_4 = arith.addi %scan3A, %scan3A_3 : i32
    %scan3A_5 = arith.constant 1 : i32
    scf.for %scan3A_8 = %scan3A to %scan3A_4 step %scan3A_5  : i32 {
      %mul3A_9 = arith.constant 1 : i32
      %mul3A_10 = arith.muli %scan3A_8, %mul3A_9 : i32
      %add3A_11 = arith.constant 0 : i32
      %add3A_12 = arith.addi %add3A_11, %mul3A_10 : i32
      "tpu.region"() ({
        %run_scoped3A = tpu.sem_alloc : memref<!tpu.dma_semaphore, #tpu.memory_space<semaphore_mem>>
        %dma_start3A = arith.constant 0 : i32
        %dma_start3A_13 = tpu.memref_slice %arg6[%add3A_12, %dma_start3A] : memref<80x128xi32, #tpu.memory_space<vmem>> -> memref<1x128xi32, #tpu.memory_space<vmem>>
        %dma_start3A_14 = tpu.memref_squeeze %dma_start3A_13 : memref<1x128xi32, #tpu.memory_space<vmem>> -> memref<128xi32, #tpu.memory_space<vmem>>
        %dma_start3A_15 = arith.constant 0 : i32
        %dma_start3A_16 = arith.constant 0 : i32
        %dma_start3A_17 = tpu.memref_slice %arg8[%dma_start3A_15, %dma_start3A_16] : memref<10112x16xf32, #tpu.memory_space<vmem_shared>> -> memref<10112x16xf32, #tpu.memory_space<vmem_shared>>
        tpu.enqueue_indirect_dma source(%arg7 : memref<128x16xf32, #tpu.memory_space<vmem>>) target(%dma_start3A_17 : memref<10112x16xf32, #tpu.memory_space<vmem_shared>>) offsets(%dma_start3A_14 : memref<128xi32, #tpu.memory_space<vmem>>) semaphore(%run_scoped3A : memref<!tpu.dma_semaphore, #tpu.memory_space<semaphore_mem>>) {add = true}
        %dma_wait3A = arith.constant 0 : i32
        %dma_wait3A_18 = tpu.memref_slice %arg6[%add3A_12, %dma_wait3A] : memref<80x128xi32, #tpu.memory_space<vmem>> -> memref<1x128xi32, #tpu.memory_space<vmem>>
        %dma_wait3A_19 = tpu.memref_squeeze %dma_wait3A_18 : memref<1x128xi32, #tpu.memory_space<vmem>> -> memref<128xi32, #tpu.memory_space<vmem>>
        %dma_wait3A_20 = arith.constant 0 : i32
        %dma_wait3A_21 = arith.constant 0 : i32
        %dma_wait3A_22 = tpu.memref_slice %arg8[%dma_wait3A_20, %dma_wait3A_21] : memref<10112x16xf32, #tpu.memory_space<vmem_shared>> -> memref<10112x16xf32, #tpu.memory_space<vmem_shared>>
        tpu.wait_indirect_dma semaphore(%run_scoped3A : memref<!tpu.dma_semaphore, #tpu.memory_space<semaphore_mem>>) src(%arg7 : memref<128x16xf32, #tpu.memory_space<vmem>>) dst(%dma_wait3A_22 : memref<10112x16xf32, #tpu.memory_space<vmem_shared>>)
        tpu.yield
      }) : () -> ()
    }
    %scan3A_6 = arith.constant 80 : i32
    %barrier3A_7 = arith.constant 0 : index
    tpu.barrier barrier_id(%barrier3A_7)
    "tpu.region"() ({
      %run_scoped3A = tpu.sem_alloc : memref<!tpu.dma_semaphore, #tpu.memory_space<semaphore_mem>>
      %dma_start3A = arith.constant 0 : i32
      %dma_start3A_8 = arith.constant 0 : i32
      %dma_start3A_9 = tpu.memref_slice %arg5[%arg0, %dma_start3A, %dma_start3A_8] : memref<2x10112x16xf32, #tpu.memory_space<hbm>> -> memref<1x10112x16xf32, #tpu.memory_space<hbm>>
      %dma_start3A_10 = tpu.memref_squeeze %dma_start3A_9 : memref<1x10112x16xf32, #tpu.memory_space<hbm>> -> memref<10112x16xf32, #tpu.memory_space<hbm>>
      %dma_start3A_11 = arith.constant 0 : i32
      %dma_start3A_12 = tpu.memref_slice %dma_start3A_10[%mul3A_2, %dma_start3A_11] : memref<10112x16xf32, #tpu.memory_space<hbm>> -> memref<632x16xf32, #tpu.memory_space<hbm>>
      %dma_start3A_13 = arith.constant 0 : i32
      %dma_start3A_14 = tpu.memref_slice %arg8[%mul3A_2, %dma_start3A_13] : memref<10112x16xf32, #tpu.memory_space<vmem_shared>> -> memref<632x16xf32, #tpu.memory_space<vmem_shared>>
      tpu.enqueue_dma source(%dma_start3A_14 : memref<632x16xf32, #tpu.memory_space<vmem_shared>>) target(%dma_start3A_12 : memref<632x16xf32, #tpu.memory_space<hbm>>) target_semaphore(%run_scoped3A : memref<!tpu.dma_semaphore, #tpu.memory_space<semaphore_mem>>)
      %dma_wait3A = arith.constant 0 : i32
      %dma_wait3A_15 = arith.constant 0 : i32
      %dma_wait3A_16 = tpu.memref_slice %arg5[%arg0, %dma_wait3A, %dma_wait3A_15] : memref<2x10112x16xf32, #tpu.memory_space<hbm>> -> memref<1x10112x16xf32, #tpu.memory_space<hbm>>
      %dma_wait3A_17 = tpu.memref_squeeze %dma_wait3A_16 : memref<1x10112x16xf32, #tpu.memory_space<hbm>> -> memref<10112x16xf32, #tpu.memory_space<hbm>>
      %dma_wait3A_18 = arith.constant 0 : i32
      %dma_wait3A_19 = tpu.memref_slice %dma_wait3A_17[%mul3A_2, %dma_wait3A_18] : memref<10112x16xf32, #tpu.memory_space<hbm>> -> memref<632x16xf32, #tpu.memory_space<hbm>>
      %dma_wait3A_20 = arith.constant 0 : i32
      %dma_wait3A_21 = tpu.memref_slice %arg8[%mul3A_2, %dma_wait3A_20] : memref<10112x16xf32, #tpu.memory_space<vmem_shared>> -> memref<632x16xf32, #tpu.memory_space<vmem_shared>>
      tpu.wait_dma2 semaphore(%run_scoped3A : memref<!tpu.dma_semaphore, #tpu.memory_space<semaphore_mem>>) src(%dma_wait3A_21 : memref<632x16xf32, #tpu.memory_space<vmem_shared>>) dst(%dma_wait3A_19 : memref<632x16xf32, #tpu.memory_space<hbm>>)
      tpu.yield
    }) : () -> ()
    return
  }
}

#map = affine_map<(d0, d1) -> (0, 0)>
#map1 = affine_map<(d0, d1) -> (0, 0, 0)>
module attributes {stable_mosaic.version = 14 : i64} {
  func.func @agg(%arg0: i32, %arg1: i32, %arg2: memref<10112x128xf32, #tpu.memory_space<hbm>>, %arg3: memref<10112x128xf32, #tpu.memory_space<hbm>>, %arg4: memref<32x11520xi32, #tpu.memory_space<hbm>>, %arg5: memref<32x180x64xi32, #tpu.memory_space<hbm>>, %arg6: memref<2x10112x128xf32, #tpu.memory_space<hbm>>, %arg7: memref<11520xi32, #tpu.memory_space<vmem>>, %arg8: memref<180x64xi32, #tpu.memory_space<vmem>>, %arg9: memref<64x128xf32, #tpu.memory_space<vmem>>, %arg10: memref<64x128xf32, #tpu.memory_space<vmem>>, %arg11: memref<10112x128xf32, #tpu.memory_space<vmem_shared>>, %arg12: memref<!tpu.dma_semaphore, #tpu.memory_space<semaphore_mem>>, %arg13: memref<!tpu.dma_semaphore, #tpu.memory_space<semaphore_mem>>) attributes {dimension_semantics = [#tpu.dimension_semantics<core_parallel>, #tpu.dimension_semantics<subcore_parallel>], iteration_bounds = array<i64: 2, 16>, scalar_prefetch = 0 : i64, scratch_operands = 7 : i64, tpu.core_type = #tpu.core_type<sc_vector_subcore>, window_params = [{transform_indices = #map}, {transform_indices = #map}, {transform_indices = #map}, {transform_indices = #map1}, {transform_indices = #map1}]} {
    %mul3A = arith.constant 16 : i32
    %mul3A_0 = arith.muli %arg0, %mul3A : i32
    %add3A = arith.addi %mul3A_0, %arg1 : i32
    %mul3A_1 = arith.constant 632 : i32
    %mul3A_2 = arith.muli %arg1, %mul3A_1 : i32
    %eq3A = arith.constant 0 : i32
    %eq3A_3 = arith.cmpi eq, %arg0, %eq3A : i32
    %jit3A = arith.constant 180 : i32
    %jit3A_4 = arith.constant 134 : i32
    %select_n3A = arith.select %eq3A_3, %jit3A, %jit3A_4 : i32
    "tpu.region"() ({
      %run_scoped3A = tpu.sem_alloc : memref<!tpu.dma_semaphore, #tpu.memory_space<semaphore_mem>>
      %dma_start3A_38 = arith.constant 0 : i32
      %dma_start3A_39 = tpu.memref_slice %arg4[%add3A, %dma_start3A_38] : memref<32x11520xi32, #tpu.memory_space<hbm>> -> memref<1x11520xi32, #tpu.memory_space<hbm>>
      %dma_start3A_40 = tpu.memref_squeeze %dma_start3A_39 : memref<1x11520xi32, #tpu.memory_space<hbm>> -> memref<11520xi32, #tpu.memory_space<hbm>>
      %dma_start3A_41 = arith.constant 0 : i32
      %dma_start3A_42 = tpu.memref_slice %arg4[%add3A, %dma_start3A_41] : memref<32x11520xi32, #tpu.memory_space<hbm>> -> memref<1x11520xi32, #tpu.memory_space<hbm>>
      %dma_start3A_43 = tpu.memref_squeeze %dma_start3A_42 : memref<1x11520xi32, #tpu.memory_space<hbm>> -> memref<11520xi32, #tpu.memory_space<hbm>>
      tpu.enqueue_dma source(%dma_start3A_43 : memref<11520xi32, #tpu.memory_space<hbm>>) target(%arg7 : memref<11520xi32, #tpu.memory_space<vmem>>) target_semaphore(%run_scoped3A : memref<!tpu.dma_semaphore, #tpu.memory_space<semaphore_mem>>)
      %dma_wait3A = arith.constant 0 : i32
      %dma_wait3A_44 = tpu.memref_slice %arg4[%add3A, %dma_wait3A] : memref<32x11520xi32, #tpu.memory_space<hbm>> -> memref<1x11520xi32, #tpu.memory_space<hbm>>
      %dma_wait3A_45 = tpu.memref_squeeze %dma_wait3A_44 : memref<1x11520xi32, #tpu.memory_space<hbm>> -> memref<11520xi32, #tpu.memory_space<hbm>>
      %dma_wait3A_46 = arith.constant 0 : i32
      %dma_wait3A_47 = tpu.memref_slice %arg4[%add3A, %dma_wait3A_46] : memref<32x11520xi32, #tpu.memory_space<hbm>> -> memref<1x11520xi32, #tpu.memory_space<hbm>>
      %dma_wait3A_48 = tpu.memref_squeeze %dma_wait3A_47 : memref<1x11520xi32, #tpu.memory_space<hbm>> -> memref<11520xi32, #tpu.memory_space<hbm>>
      tpu.wait_dma2 semaphore(%run_scoped3A : memref<!tpu.dma_semaphore, #tpu.memory_space<semaphore_mem>>) src(%dma_wait3A_48 : memref<11520xi32, #tpu.memory_space<hbm>>) dst(%arg7 : memref<11520xi32, #tpu.memory_space<vmem>>)
      tpu.yield
    }) : () -> ()
    "tpu.region"() ({
      %run_scoped3A = tpu.sem_alloc : memref<!tpu.dma_semaphore, #tpu.memory_space<semaphore_mem>>
      %dma_start3A_38 = arith.constant 0 : i32
      %dma_start3A_39 = arith.constant 0 : i32
      %dma_start3A_40 = tpu.memref_slice %arg5[%add3A, %dma_start3A_38, %dma_start3A_39] : memref<32x180x64xi32, #tpu.memory_space<hbm>> -> memref<1x180x64xi32, #tpu.memory_space<hbm>>
      %dma_start3A_41 = tpu.memref_squeeze %dma_start3A_40 : memref<1x180x64xi32, #tpu.memory_space<hbm>> -> memref<180x64xi32, #tpu.memory_space<hbm>>
      %dma_start3A_42 = arith.constant 0 : i32
      %dma_start3A_43 = arith.constant 0 : i32
      %dma_start3A_44 = tpu.memref_slice %arg5[%add3A, %dma_start3A_42, %dma_start3A_43] : memref<32x180x64xi32, #tpu.memory_space<hbm>> -> memref<1x180x64xi32, #tpu.memory_space<hbm>>
      %dma_start3A_45 = tpu.memref_squeeze %dma_start3A_44 : memref<1x180x64xi32, #tpu.memory_space<hbm>> -> memref<180x64xi32, #tpu.memory_space<hbm>>
      tpu.enqueue_dma source(%dma_start3A_45 : memref<180x64xi32, #tpu.memory_space<hbm>>) target(%arg8 : memref<180x64xi32, #tpu.memory_space<vmem>>) target_semaphore(%run_scoped3A : memref<!tpu.dma_semaphore, #tpu.memory_space<semaphore_mem>>)
      %dma_wait3A = arith.constant 0 : i32
      %dma_wait3A_46 = arith.constant 0 : i32
      %dma_wait3A_47 = tpu.memref_slice %arg5[%add3A, %dma_wait3A, %dma_wait3A_46] : memref<32x180x64xi32, #tpu.memory_space<hbm>> -> memref<1x180x64xi32, #tpu.memory_space<hbm>>
      %dma_wait3A_48 = tpu.memref_squeeze %dma_wait3A_47 : memref<1x180x64xi32, #tpu.memory_space<hbm>> -> memref<180x64xi32, #tpu.memory_space<hbm>>
      %dma_wait3A_49 = arith.constant 0 : i32
      %dma_wait3A_50 = arith.constant 0 : i32
      %dma_wait3A_51 = tpu.memref_slice %arg5[%add3A, %dma_wait3A_49, %dma_wait3A_50] : memref<32x180x64xi32, #tpu.memory_space<hbm>> -> memref<1x180x64xi32, #tpu.memory_space<hbm>>
      %dma_wait3A_52 = tpu.memref_squeeze %dma_wait3A_51 : memref<1x180x64xi32, #tpu.memory_space<hbm>> -> memref<180x64xi32, #tpu.memory_space<hbm>>
      tpu.wait_dma2 semaphore(%run_scoped3A : memref<!tpu.dma_semaphore, #tpu.memory_space<semaphore_mem>>) src(%dma_wait3A_52 : memref<180x64xi32, #tpu.memory_space<hbm>>) dst(%arg8 : memref<180x64xi32, #tpu.memory_space<vmem>>)
      tpu.yield
    }) : () -> ()
    %eq3A_5 = arith.constant 0 : i32
    %eq3A_6 = arith.cmpi eq, %arg0, %eq3A_5 : i32
    %convert_element_type3A = arith.extui %eq3A_6 : i1 to i32
    %cond3A = arith.constant 0 : i32
    %cond3A_7 = arith.cmpi ne, %convert_element_type3A, %cond3A : i32
    scf.if %cond3A_7 {
      "tpu.region"() ({
        %run_scoped3A = tpu.sem_alloc : memref<!tpu.dma_semaphore, #tpu.memory_space<semaphore_mem>>
        %dma_start3A_38 = arith.constant 0 : i32
        %dma_start3A_39 = tpu.memref_slice %arg11[%mul3A_2, %dma_start3A_38] : memref<10112x128xf32, #tpu.memory_space<vmem_shared>> -> memref<632x128xf32, #tpu.memory_space<vmem_shared>>
        %dma_start3A_40 = arith.constant 0 : i32
        %dma_start3A_41 = tpu.memref_slice %arg2[%mul3A_2, %dma_start3A_40] : memref<10112x128xf32, #tpu.memory_space<hbm>> -> memref<632x128xf32, #tpu.memory_space<hbm>>
        tpu.enqueue_dma source(%dma_start3A_41 : memref<632x128xf32, #tpu.memory_space<hbm>>) target(%dma_start3A_39 : memref<632x128xf32, #tpu.memory_space<vmem_shared>>) target_semaphore(%run_scoped3A : memref<!tpu.dma_semaphore, #tpu.memory_space<semaphore_mem>>)
        %dma_wait3A = arith.constant 0 : i32
        %dma_wait3A_42 = tpu.memref_slice %arg11[%mul3A_2, %dma_wait3A] : memref<10112x128xf32, #tpu.memory_space<vmem_shared>> -> memref<632x128xf32, #tpu.memory_space<vmem_shared>>
        %dma_wait3A_43 = arith.constant 0 : i32
        %dma_wait3A_44 = tpu.memref_slice %arg2[%mul3A_2, %dma_wait3A_43] : memref<10112x128xf32, #tpu.memory_space<hbm>> -> memref<632x128xf32, #tpu.memory_space<hbm>>
        tpu.wait_dma2 semaphore(%run_scoped3A : memref<!tpu.dma_semaphore, #tpu.memory_space<semaphore_mem>>) src(%dma_wait3A_44 : memref<632x128xf32, #tpu.memory_space<hbm>>) dst(%dma_wait3A_42 : memref<632x128xf32, #tpu.memory_space<vmem_shared>>)
        tpu.yield
      }) : () -> ()
    } else {
    }
    %ne3A = arith.constant 0 : i32
    %ne3A_8 = arith.cmpi ne, %arg0, %ne3A : i32
    %convert_element_type3A_9 = arith.extui %ne3A_8 : i1 to i32
    %cond3A_10 = arith.constant 0 : i32
    %cond3A_11 = arith.cmpi ne, %convert_element_type3A_9, %cond3A_10 : i32
    scf.if %cond3A_11 {
      "tpu.region"() ({
        %run_scoped3A = tpu.sem_alloc : memref<!tpu.dma_semaphore, #tpu.memory_space<semaphore_mem>>
        %dma_start3A_38 = arith.constant 0 : i32
        %dma_start3A_39 = tpu.memref_slice %arg11[%mul3A_2, %dma_start3A_38] : memref<10112x128xf32, #tpu.memory_space<vmem_shared>> -> memref<632x128xf32, #tpu.memory_space<vmem_shared>>
        %dma_start3A_40 = arith.constant 0 : i32
        %dma_start3A_41 = tpu.memref_slice %arg3[%mul3A_2, %dma_start3A_40] : memref<10112x128xf32, #tpu.memory_space<hbm>> -> memref<632x128xf32, #tpu.memory_space<hbm>>
        tpu.enqueue_dma source(%dma_start3A_41 : memref<632x128xf32, #tpu.memory_space<hbm>>) target(%dma_start3A_39 : memref<632x128xf32, #tpu.memory_space<vmem_shared>>) target_semaphore(%run_scoped3A : memref<!tpu.dma_semaphore, #tpu.memory_space<semaphore_mem>>)
        %dma_wait3A = arith.constant 0 : i32
        %dma_wait3A_42 = tpu.memref_slice %arg11[%mul3A_2, %dma_wait3A] : memref<10112x128xf32, #tpu.memory_space<vmem_shared>> -> memref<632x128xf32, #tpu.memory_space<vmem_shared>>
        %dma_wait3A_43 = arith.constant 0 : i32
        %dma_wait3A_44 = tpu.memref_slice %arg3[%mul3A_2, %dma_wait3A_43] : memref<10112x128xf32, #tpu.memory_space<hbm>> -> memref<632x128xf32, #tpu.memory_space<hbm>>
        tpu.wait_dma2 semaphore(%run_scoped3A : memref<!tpu.dma_semaphore, #tpu.memory_space<semaphore_mem>>) src(%dma_wait3A_44 : memref<632x128xf32, #tpu.memory_space<hbm>>) dst(%dma_wait3A_42 : memref<632x128xf32, #tpu.memory_space<vmem_shared>>)
        tpu.yield
      }) : () -> ()
    } else {
    }
    %barrier3A = arith.constant 0 : index
    tpu.barrier barrier_id(%barrier3A)
    %dma_start3A = arith.constant 0 : i32
    %dma_start3A_12 = tpu.memref_slice %arg7[%dma_start3A] : memref<11520xi32, #tpu.memory_space<vmem>> -> memref<64xi32, #tpu.memory_space<vmem>>
    %dma_start3A_13 = arith.constant 0 : i32
    %dma_start3A_14 = arith.constant 0 : i32
    %dma_start3A_15 = tpu.memref_slice %arg2[%dma_start3A_13, %dma_start3A_14] : memref<10112x128xf32, #tpu.memory_space<hbm>> -> memref<10112x128xf32, #tpu.memory_space<hbm>>
    tpu.enqueue_indirect_dma source(%dma_start3A_15 : memref<10112x128xf32, #tpu.memory_space<hbm>>) target(%arg9 : memref<64x128xf32, #tpu.memory_space<vmem>>) offsets(%dma_start3A_12 : memref<64xi32, #tpu.memory_space<vmem>>) semaphore(%arg12 : memref<!tpu.dma_semaphore, #tpu.memory_space<semaphore_mem>>)
    %dma_start3A_16 = arith.constant 64 : i32
    %dma_start3A_17 = tpu.memref_slice %arg7[%dma_start3A_16] : memref<11520xi32, #tpu.memory_space<vmem>> -> memref<64xi32, #tpu.memory_space<vmem>>
    %dma_start3A_18 = arith.constant 0 : i32
    %dma_start3A_19 = arith.constant 0 : i32
    %dma_start3A_20 = tpu.memref_slice %arg2[%dma_start3A_18, %dma_start3A_19] : memref<10112x128xf32, #tpu.memory_space<hbm>> -> memref<10112x128xf32, #tpu.memory_space<hbm>>
    tpu.enqueue_indirect_dma source(%dma_start3A_20 : memref<10112x128xf32, #tpu.memory_space<hbm>>) target(%arg10 : memref<64x128xf32, #tpu.memory_space<vmem>>) offsets(%dma_start3A_17 : memref<64xi32, #tpu.memory_space<vmem>>) semaphore(%arg13 : memref<!tpu.dma_semaphore, #tpu.memory_space<semaphore_mem>>)
    %sub3A = arith.constant 0 : i32
    %sub3A_21 = arith.subi %select_n3A, %sub3A : i32
    %sub3A_22 = arith.constant 2 : i32
    %sub3A_23 = arith.constant 1 : i32
    %sub3A_24 = arith.subi %sub3A_22, %sub3A_23 : i32
    %add3A_25 = arith.addi %sub3A_21, %sub3A_24 : i32
    %div3A = arith.constant 2 : i32
    %div3A_26 = arith.divsi %add3A_25, %div3A : i32
    %while3A = arith.constant 2 : i32
    %while3A_27 = arith.constant 0 : i32
    %while3A_28 = arith.constant 0 : i32
    %while3A_29 = arith.subi %div3A_26, %while3A_28 : i32
    %while3A_30 = arith.addi %while3A_28, %while3A_29 : i32
    %while3A_31 = arith.constant 1 : i32
    %while3A_32 = arith.divsi %while3A_29, %while3A_31 : i32
    %while3A_33 = arith.muli %while3A_32, %while3A_31 : i32
    %while3A_34 = arith.addi %while3A_28, %while3A_33 : i32
    %while3A_35 = arith.constant 1 : i32
    scf.for %while3A_38 = %while3A_28 to %while3A_34 step %while3A_35  : i32 {
      %mul3A_39 = arith.muli %while3A_38, %while3A : i32
      %add3A_40 = arith.addi %while3A_27, %mul3A_39 : i32
      %add3A_41 = arith.constant 0 : i32
      %add3A_42 = arith.addi %add3A_40, %add3A_41 : i32
      %mul3A_43 = arith.constant 64 : i32
      %mul3A_44 = arith.muli %add3A_42, %mul3A_43 : i32
      %dma_wait3A = tpu.memref_slice %arg7[%mul3A_44] : memref<11520xi32, #tpu.memory_space<vmem>> -> memref<64xi32, #tpu.memory_space<vmem>>
      %dma_wait3A_45 = arith.constant 0 : i32
      %dma_wait3A_46 = arith.constant 0 : i32
      %dma_wait3A_47 = tpu.memref_slice %arg2[%dma_wait3A_45, %dma_wait3A_46] : memref<10112x128xf32, #tpu.memory_space<hbm>> -> memref<10112x128xf32, #tpu.memory_space<hbm>>
      tpu.wait_indirect_dma semaphore(%arg12 : memref<!tpu.dma_semaphore, #tpu.memory_space<semaphore_mem>>) src(%dma_wait3A_47 : memref<10112x128xf32, #tpu.memory_space<hbm>>) dst(%arg9 : memref<64x128xf32, #tpu.memory_space<vmem>>)
      "tpu.region"() ({
        %run_scoped3A = tpu.sem_alloc : memref<!tpu.dma_semaphore, #tpu.memory_space<semaphore_mem>>
        %dma_start3A_67 = arith.constant 0 : i32
        %dma_start3A_68 = tpu.memref_slice %arg8[%add3A_42, %dma_start3A_67] : memref<180x64xi32, #tpu.memory_space<vmem>> -> memref<1x64xi32, #tpu.memory_space<vmem>>
        %dma_start3A_69 = tpu.memref_squeeze %dma_start3A_68 : memref<1x64xi32, #tpu.memory_space<vmem>> -> memref<64xi32, #tpu.memory_space<vmem>>
        %dma_start3A_70 = arith.constant 0 : i32
        %dma_start3A_71 = arith.constant 0 : i32
        %dma_start3A_72 = tpu.memref_slice %arg11[%dma_start3A_70, %dma_start3A_71] : memref<10112x128xf32, #tpu.memory_space<vmem_shared>> -> memref<10112x128xf32, #tpu.memory_space<vmem_shared>>
        tpu.enqueue_indirect_dma source(%arg9 : memref<64x128xf32, #tpu.memory_space<vmem>>) target(%dma_start3A_72 : memref<10112x128xf32, #tpu.memory_space<vmem_shared>>) offsets(%dma_start3A_69 : memref<64xi32, #tpu.memory_space<vmem>>) semaphore(%run_scoped3A : memref<!tpu.dma_semaphore, #tpu.memory_space<semaphore_mem>>) {add = true}
        %dma_wait3A_73 = arith.constant 0 : i32
        %dma_wait3A_74 = tpu.memref_slice %arg8[%add3A_42, %dma_wait3A_73] : memref<180x64xi32, #tpu.memory_space<vmem>> -> memref<1x64xi32, #tpu.memory_space<vmem>>
        %dma_wait3A_75 = tpu.memref_squeeze %dma_wait3A_74 : memref<1x64xi32, #tpu.memory_space<vmem>> -> memref<64xi32, #tpu.memory_space<vmem>>
        %dma_wait3A_76 = arith.constant 0 : i32
        %dma_wait3A_77 = arith.constant 0 : i32
        %dma_wait3A_78 = tpu.memref_slice %arg11[%dma_wait3A_76, %dma_wait3A_77] : memref<10112x128xf32, #tpu.memory_space<vmem_shared>> -> memref<10112x128xf32, #tpu.memory_space<vmem_shared>>
        tpu.wait_indirect_dma semaphore(%run_scoped3A : memref<!tpu.dma_semaphore, #tpu.memory_space<semaphore_mem>>) src(%arg9 : memref<64x128xf32, #tpu.memory_space<vmem>>) dst(%dma_wait3A_78 : memref<10112x128xf32, #tpu.memory_space<vmem_shared>>)
        tpu.yield
      }) : () -> ()
      %add3A_48 = arith.constant 2 : i32
      %add3A_49 = arith.addi %add3A_42, %add3A_48 : i32
      %lt3A = arith.cmpi slt, %add3A_49, %select_n3A : i32
      %convert_element_type3A_50 = arith.extui %lt3A : i1 to i32
      %cond3A_51 = arith.constant 0 : i32
      %cond3A_52 = arith.cmpi ne, %convert_element_type3A_50, %cond3A_51 : i32
      scf.if %cond3A_52 {
        %add3A_67 = arith.constant 2 : i32
        %add3A_68 = arith.addi %add3A_42, %add3A_67 : i32
        %mul3A_69 = arith.constant 64 : i32
        %mul3A_70 = arith.muli %add3A_68, %mul3A_69 : i32
        %dma_start3A_71 = tpu.memref_slice %arg7[%mul3A_70] : memref<11520xi32, #tpu.memory_space<vmem>> -> memref<64xi32, #tpu.memory_space<vmem>>
        %dma_start3A_72 = arith.constant 0 : i32
        %dma_start3A_73 = arith.constant 0 : i32
        %dma_start3A_74 = tpu.memref_slice %arg2[%dma_start3A_72, %dma_start3A_73] : memref<10112x128xf32, #tpu.memory_space<hbm>> -> memref<10112x128xf32, #tpu.memory_space<hbm>>
        tpu.enqueue_indirect_dma source(%dma_start3A_74 : memref<10112x128xf32, #tpu.memory_space<hbm>>) target(%arg9 : memref<64x128xf32, #tpu.memory_space<vmem>>) offsets(%dma_start3A_71 : memref<64xi32, #tpu.memory_space<vmem>>) semaphore(%arg12 : memref<!tpu.dma_semaphore, #tpu.memory_space<semaphore_mem>>)
      } else {
      }
      %add3A_53 = arith.constant 1 : i32
      %add3A_54 = arith.addi %add3A_40, %add3A_53 : i32
      %mul3A_55 = arith.constant 64 : i32
      %mul3A_56 = arith.muli %add3A_54, %mul3A_55 : i32
      %dma_wait3A_57 = tpu.memref_slice %arg7[%mul3A_56] : memref<11520xi32, #tpu.memory_space<vmem>> -> memref<64xi32, #tpu.memory_space<vmem>>
      %dma_wait3A_58 = arith.constant 0 : i32
      %dma_wait3A_59 = arith.constant 0 : i32
      %dma_wait3A_60 = tpu.memref_slice %arg2[%dma_wait3A_58, %dma_wait3A_59] : memref<10112x128xf32, #tpu.memory_space<hbm>> -> memref<10112x128xf32, #tpu.memory_space<hbm>>
      tpu.wait_indirect_dma semaphore(%arg13 : memref<!tpu.dma_semaphore, #tpu.memory_space<semaphore_mem>>) src(%dma_wait3A_60 : memref<10112x128xf32, #tpu.memory_space<hbm>>) dst(%arg10 : memref<64x128xf32, #tpu.memory_space<vmem>>)
      "tpu.region"() ({
        %run_scoped3A = tpu.sem_alloc : memref<!tpu.dma_semaphore, #tpu.memory_space<semaphore_mem>>
        %dma_start3A_67 = arith.constant 0 : i32
        %dma_start3A_68 = tpu.memref_slice %arg8[%add3A_54, %dma_start3A_67] : memref<180x64xi32, #tpu.memory_space<vmem>> -> memref<1x64xi32, #tpu.memory_space<vmem>>
        %dma_start3A_69 = tpu.memref_squeeze %dma_start3A_68 : memref<1x64xi32, #tpu.memory_space<vmem>> -> memref<64xi32, #tpu.memory_space<vmem>>
        %dma_start3A_70 = arith.constant 0 : i32
        %dma_start3A_71 = arith.constant 0 : i32
        %dma_start3A_72 = tpu.memref_slice %arg11[%dma_start3A_70, %dma_start3A_71] : memref<10112x128xf32, #tpu.memory_space<vmem_shared>> -> memref<10112x128xf32, #tpu.memory_space<vmem_shared>>
        tpu.enqueue_indirect_dma source(%arg10 : memref<64x128xf32, #tpu.memory_space<vmem>>) target(%dma_start3A_72 : memref<10112x128xf32, #tpu.memory_space<vmem_shared>>) offsets(%dma_start3A_69 : memref<64xi32, #tpu.memory_space<vmem>>) semaphore(%run_scoped3A : memref<!tpu.dma_semaphore, #tpu.memory_space<semaphore_mem>>) {add = true}
        %dma_wait3A_73 = arith.constant 0 : i32
        %dma_wait3A_74 = tpu.memref_slice %arg8[%add3A_54, %dma_wait3A_73] : memref<180x64xi32, #tpu.memory_space<vmem>> -> memref<1x64xi32, #tpu.memory_space<vmem>>
        %dma_wait3A_75 = tpu.memref_squeeze %dma_wait3A_74 : memref<1x64xi32, #tpu.memory_space<vmem>> -> memref<64xi32, #tpu.memory_space<vmem>>
        %dma_wait3A_76 = arith.constant 0 : i32
        %dma_wait3A_77 = arith.constant 0 : i32
        %dma_wait3A_78 = tpu.memref_slice %arg11[%dma_wait3A_76, %dma_wait3A_77] : memref<10112x128xf32, #tpu.memory_space<vmem_shared>> -> memref<10112x128xf32, #tpu.memory_space<vmem_shared>>
        tpu.wait_indirect_dma semaphore(%run_scoped3A : memref<!tpu.dma_semaphore, #tpu.memory_space<semaphore_mem>>) src(%arg10 : memref<64x128xf32, #tpu.memory_space<vmem>>) dst(%dma_wait3A_78 : memref<10112x128xf32, #tpu.memory_space<vmem_shared>>)
        tpu.yield
      }) : () -> ()
      %add3A_61 = arith.constant 2 : i32
      %add3A_62 = arith.addi %add3A_54, %add3A_61 : i32
      %lt3A_63 = arith.cmpi slt, %add3A_62, %select_n3A : i32
      %convert_element_type3A_64 = arith.extui %lt3A_63 : i1 to i32
      %cond3A_65 = arith.constant 0 : i32
      %cond3A_66 = arith.cmpi ne, %convert_element_type3A_64, %cond3A_65 : i32
      scf.if %cond3A_66 {
        %add3A_67 = arith.constant 2 : i32
        %add3A_68 = arith.addi %add3A_54, %add3A_67 : i32
        %mul3A_69 = arith.constant 64 : i32
        %mul3A_70 = arith.muli %add3A_68, %mul3A_69 : i32
        %dma_start3A_71 = tpu.memref_slice %arg7[%mul3A_70] : memref<11520xi32, #tpu.memory_space<vmem>> -> memref<64xi32, #tpu.memory_space<vmem>>
        %dma_start3A_72 = arith.constant 0 : i32
        %dma_start3A_73 = arith.constant 0 : i32
        %dma_start3A_74 = tpu.memref_slice %arg2[%dma_start3A_72, %dma_start3A_73] : memref<10112x128xf32, #tpu.memory_space<hbm>> -> memref<10112x128xf32, #tpu.memory_space<hbm>>
        tpu.enqueue_indirect_dma source(%dma_start3A_74 : memref<10112x128xf32, #tpu.memory_space<hbm>>) target(%arg10 : memref<64x128xf32, #tpu.memory_space<vmem>>) offsets(%dma_start3A_71 : memref<64xi32, #tpu.memory_space<vmem>>) semaphore(%arg13 : memref<!tpu.dma_semaphore, #tpu.memory_space<semaphore_mem>>)
      } else {
      }
    }
    %while3A_36 = arith.constant 1 : i32
    scf.for %while3A_38 = %while3A_34 to %while3A_30 step %while3A_36  : i32 {
      %mul3A_39 = arith.muli %while3A_38, %while3A : i32
      %add3A_40 = arith.addi %while3A_27, %mul3A_39 : i32
      %add3A_41 = arith.constant 0 : i32
      %add3A_42 = arith.addi %add3A_40, %add3A_41 : i32
      %mul3A_43 = arith.constant 64 : i32
      %mul3A_44 = arith.muli %add3A_42, %mul3A_43 : i32
      %dma_wait3A = tpu.memref_slice %arg7[%mul3A_44] : memref<11520xi32, #tpu.memory_space<vmem>> -> memref<64xi32, #tpu.memory_space<vmem>>
      %dma_wait3A_45 = arith.constant 0 : i32
      %dma_wait3A_46 = arith.constant 0 : i32
      %dma_wait3A_47 = tpu.memref_slice %arg2[%dma_wait3A_45, %dma_wait3A_46] : memref<10112x128xf32, #tpu.memory_space<hbm>> -> memref<10112x128xf32, #tpu.memory_space<hbm>>
      tpu.wait_indirect_dma semaphore(%arg12 : memref<!tpu.dma_semaphore, #tpu.memory_space<semaphore_mem>>) src(%dma_wait3A_47 : memref<10112x128xf32, #tpu.memory_space<hbm>>) dst(%arg9 : memref<64x128xf32, #tpu.memory_space<vmem>>)
      "tpu.region"() ({
        %run_scoped3A = tpu.sem_alloc : memref<!tpu.dma_semaphore, #tpu.memory_space<semaphore_mem>>
        %dma_start3A_67 = arith.constant 0 : i32
        %dma_start3A_68 = tpu.memref_slice %arg8[%add3A_42, %dma_start3A_67] : memref<180x64xi32, #tpu.memory_space<vmem>> -> memref<1x64xi32, #tpu.memory_space<vmem>>
        %dma_start3A_69 = tpu.memref_squeeze %dma_start3A_68 : memref<1x64xi32, #tpu.memory_space<vmem>> -> memref<64xi32, #tpu.memory_space<vmem>>
        %dma_start3A_70 = arith.constant 0 : i32
        %dma_start3A_71 = arith.constant 0 : i32
        %dma_start3A_72 = tpu.memref_slice %arg11[%dma_start3A_70, %dma_start3A_71] : memref<10112x128xf32, #tpu.memory_space<vmem_shared>> -> memref<10112x128xf32, #tpu.memory_space<vmem_shared>>
        tpu.enqueue_indirect_dma source(%arg9 : memref<64x128xf32, #tpu.memory_space<vmem>>) target(%dma_start3A_72 : memref<10112x128xf32, #tpu.memory_space<vmem_shared>>) offsets(%dma_start3A_69 : memref<64xi32, #tpu.memory_space<vmem>>) semaphore(%run_scoped3A : memref<!tpu.dma_semaphore, #tpu.memory_space<semaphore_mem>>) {add = true}
        %dma_wait3A_73 = arith.constant 0 : i32
        %dma_wait3A_74 = tpu.memref_slice %arg8[%add3A_42, %dma_wait3A_73] : memref<180x64xi32, #tpu.memory_space<vmem>> -> memref<1x64xi32, #tpu.memory_space<vmem>>
        %dma_wait3A_75 = tpu.memref_squeeze %dma_wait3A_74 : memref<1x64xi32, #tpu.memory_space<vmem>> -> memref<64xi32, #tpu.memory_space<vmem>>
        %dma_wait3A_76 = arith.constant 0 : i32
        %dma_wait3A_77 = arith.constant 0 : i32
        %dma_wait3A_78 = tpu.memref_slice %arg11[%dma_wait3A_76, %dma_wait3A_77] : memref<10112x128xf32, #tpu.memory_space<vmem_shared>> -> memref<10112x128xf32, #tpu.memory_space<vmem_shared>>
        tpu.wait_indirect_dma semaphore(%run_scoped3A : memref<!tpu.dma_semaphore, #tpu.memory_space<semaphore_mem>>) src(%arg9 : memref<64x128xf32, #tpu.memory_space<vmem>>) dst(%dma_wait3A_78 : memref<10112x128xf32, #tpu.memory_space<vmem_shared>>)
        tpu.yield
      }) : () -> ()
      %add3A_48 = arith.constant 2 : i32
      %add3A_49 = arith.addi %add3A_42, %add3A_48 : i32
      %lt3A = arith.cmpi slt, %add3A_49, %select_n3A : i32
      %convert_element_type3A_50 = arith.extui %lt3A : i1 to i32
      %cond3A_51 = arith.constant 0 : i32
      %cond3A_52 = arith.cmpi ne, %convert_element_type3A_50, %cond3A_51 : i32
      scf.if %cond3A_52 {
        %add3A_67 = arith.constant 2 : i32
        %add3A_68 = arith.addi %add3A_42, %add3A_67 : i32
        %mul3A_69 = arith.constant 64 : i32
        %mul3A_70 = arith.muli %add3A_68, %mul3A_69 : i32
        %dma_start3A_71 = tpu.memref_slice %arg7[%mul3A_70] : memref<11520xi32, #tpu.memory_space<vmem>> -> memref<64xi32, #tpu.memory_space<vmem>>
        %dma_start3A_72 = arith.constant 0 : i32
        %dma_start3A_73 = arith.constant 0 : i32
        %dma_start3A_74 = tpu.memref_slice %arg2[%dma_start3A_72, %dma_start3A_73] : memref<10112x128xf32, #tpu.memory_space<hbm>> -> memref<10112x128xf32, #tpu.memory_space<hbm>>
        tpu.enqueue_indirect_dma source(%dma_start3A_74 : memref<10112x128xf32, #tpu.memory_space<hbm>>) target(%arg9 : memref<64x128xf32, #tpu.memory_space<vmem>>) offsets(%dma_start3A_71 : memref<64xi32, #tpu.memory_space<vmem>>) semaphore(%arg12 : memref<!tpu.dma_semaphore, #tpu.memory_space<semaphore_mem>>)
      } else {
      }
      %add3A_53 = arith.constant 1 : i32
      %add3A_54 = arith.addi %add3A_40, %add3A_53 : i32
      %mul3A_55 = arith.constant 64 : i32
      %mul3A_56 = arith.muli %add3A_54, %mul3A_55 : i32
      %dma_wait3A_57 = tpu.memref_slice %arg7[%mul3A_56] : memref<11520xi32, #tpu.memory_space<vmem>> -> memref<64xi32, #tpu.memory_space<vmem>>
      %dma_wait3A_58 = arith.constant 0 : i32
      %dma_wait3A_59 = arith.constant 0 : i32
      %dma_wait3A_60 = tpu.memref_slice %arg2[%dma_wait3A_58, %dma_wait3A_59] : memref<10112x128xf32, #tpu.memory_space<hbm>> -> memref<10112x128xf32, #tpu.memory_space<hbm>>
      tpu.wait_indirect_dma semaphore(%arg13 : memref<!tpu.dma_semaphore, #tpu.memory_space<semaphore_mem>>) src(%dma_wait3A_60 : memref<10112x128xf32, #tpu.memory_space<hbm>>) dst(%arg10 : memref<64x128xf32, #tpu.memory_space<vmem>>)
      "tpu.region"() ({
        %run_scoped3A = tpu.sem_alloc : memref<!tpu.dma_semaphore, #tpu.memory_space<semaphore_mem>>
        %dma_start3A_67 = arith.constant 0 : i32
        %dma_start3A_68 = tpu.memref_slice %arg8[%add3A_54, %dma_start3A_67] : memref<180x64xi32, #tpu.memory_space<vmem>> -> memref<1x64xi32, #tpu.memory_space<vmem>>
        %dma_start3A_69 = tpu.memref_squeeze %dma_start3A_68 : memref<1x64xi32, #tpu.memory_space<vmem>> -> memref<64xi32, #tpu.memory_space<vmem>>
        %dma_start3A_70 = arith.constant 0 : i32
        %dma_start3A_71 = arith.constant 0 : i32
        %dma_start3A_72 = tpu.memref_slice %arg11[%dma_start3A_70, %dma_start3A_71] : memref<10112x128xf32, #tpu.memory_space<vmem_shared>> -> memref<10112x128xf32, #tpu.memory_space<vmem_shared>>
        tpu.enqueue_indirect_dma source(%arg10 : memref<64x128xf32, #tpu.memory_space<vmem>>) target(%dma_start3A_72 : memref<10112x128xf32, #tpu.memory_space<vmem_shared>>) offsets(%dma_start3A_69 : memref<64xi32, #tpu.memory_space<vmem>>) semaphore(%run_scoped3A : memref<!tpu.dma_semaphore, #tpu.memory_space<semaphore_mem>>) {add = true}
        %dma_wait3A_73 = arith.constant 0 : i32
        %dma_wait3A_74 = tpu.memref_slice %arg8[%add3A_54, %dma_wait3A_73] : memref<180x64xi32, #tpu.memory_space<vmem>> -> memref<1x64xi32, #tpu.memory_space<vmem>>
        %dma_wait3A_75 = tpu.memref_squeeze %dma_wait3A_74 : memref<1x64xi32, #tpu.memory_space<vmem>> -> memref<64xi32, #tpu.memory_space<vmem>>
        %dma_wait3A_76 = arith.constant 0 : i32
        %dma_wait3A_77 = arith.constant 0 : i32
        %dma_wait3A_78 = tpu.memref_slice %arg11[%dma_wait3A_76, %dma_wait3A_77] : memref<10112x128xf32, #tpu.memory_space<vmem_shared>> -> memref<10112x128xf32, #tpu.memory_space<vmem_shared>>
        tpu.wait_indirect_dma semaphore(%run_scoped3A : memref<!tpu.dma_semaphore, #tpu.memory_space<semaphore_mem>>) src(%arg10 : memref<64x128xf32, #tpu.memory_space<vmem>>) dst(%dma_wait3A_78 : memref<10112x128xf32, #tpu.memory_space<vmem_shared>>)
        tpu.yield
      }) : () -> ()
      %add3A_61 = arith.constant 2 : i32
      %add3A_62 = arith.addi %add3A_54, %add3A_61 : i32
      %lt3A_63 = arith.cmpi slt, %add3A_62, %select_n3A : i32
      %convert_element_type3A_64 = arith.extui %lt3A_63 : i1 to i32
      %cond3A_65 = arith.constant 0 : i32
      %cond3A_66 = arith.cmpi ne, %convert_element_type3A_64, %cond3A_65 : i32
      scf.if %cond3A_66 {
        %add3A_67 = arith.constant 2 : i32
        %add3A_68 = arith.addi %add3A_54, %add3A_67 : i32
        %mul3A_69 = arith.constant 64 : i32
        %mul3A_70 = arith.muli %add3A_68, %mul3A_69 : i32
        %dma_start3A_71 = tpu.memref_slice %arg7[%mul3A_70] : memref<11520xi32, #tpu.memory_space<vmem>> -> memref<64xi32, #tpu.memory_space<vmem>>
        %dma_start3A_72 = arith.constant 0 : i32
        %dma_start3A_73 = arith.constant 0 : i32
        %dma_start3A_74 = tpu.memref_slice %arg2[%dma_start3A_72, %dma_start3A_73] : memref<10112x128xf32, #tpu.memory_space<hbm>> -> memref<10112x128xf32, #tpu.memory_space<hbm>>
        tpu.enqueue_indirect_dma source(%dma_start3A_74 : memref<10112x128xf32, #tpu.memory_space<hbm>>) target(%arg10 : memref<64x128xf32, #tpu.memory_space<vmem>>) offsets(%dma_start3A_71 : memref<64xi32, #tpu.memory_space<vmem>>) semaphore(%arg13 : memref<!tpu.dma_semaphore, #tpu.memory_space<semaphore_mem>>)
      } else {
      }
    }
    %barrier3A_37 = arith.constant 0 : index
    tpu.barrier barrier_id(%barrier3A_37)
    "tpu.region"() ({
      %run_scoped3A = tpu.sem_alloc : memref<!tpu.dma_semaphore, #tpu.memory_space<semaphore_mem>>
      %dma_start3A_38 = arith.constant 0 : i32
      %dma_start3A_39 = arith.constant 0 : i32
      %dma_start3A_40 = tpu.memref_slice %arg6[%arg0, %dma_start3A_38, %dma_start3A_39] : memref<2x10112x128xf32, #tpu.memory_space<hbm>> -> memref<1x10112x128xf32, #tpu.memory_space<hbm>>
      %dma_start3A_41 = tpu.memref_squeeze %dma_start3A_40 : memref<1x10112x128xf32, #tpu.memory_space<hbm>> -> memref<10112x128xf32, #tpu.memory_space<hbm>>
      %dma_start3A_42 = arith.constant 0 : i32
      %dma_start3A_43 = tpu.memref_slice %dma_start3A_41[%mul3A_2, %dma_start3A_42] : memref<10112x128xf32, #tpu.memory_space<hbm>> -> memref<632x128xf32, #tpu.memory_space<hbm>>
      %dma_start3A_44 = arith.constant 0 : i32
      %dma_start3A_45 = tpu.memref_slice %arg11[%mul3A_2, %dma_start3A_44] : memref<10112x128xf32, #tpu.memory_space<vmem_shared>> -> memref<632x128xf32, #tpu.memory_space<vmem_shared>>
      tpu.enqueue_dma source(%dma_start3A_45 : memref<632x128xf32, #tpu.memory_space<vmem_shared>>) target(%dma_start3A_43 : memref<632x128xf32, #tpu.memory_space<hbm>>) target_semaphore(%run_scoped3A : memref<!tpu.dma_semaphore, #tpu.memory_space<semaphore_mem>>)
      %dma_wait3A = arith.constant 0 : i32
      %dma_wait3A_46 = arith.constant 0 : i32
      %dma_wait3A_47 = tpu.memref_slice %arg6[%arg0, %dma_wait3A, %dma_wait3A_46] : memref<2x10112x128xf32, #tpu.memory_space<hbm>> -> memref<1x10112x128xf32, #tpu.memory_space<hbm>>
      %dma_wait3A_48 = tpu.memref_squeeze %dma_wait3A_47 : memref<1x10112x128xf32, #tpu.memory_space<hbm>> -> memref<10112x128xf32, #tpu.memory_space<hbm>>
      %dma_wait3A_49 = arith.constant 0 : i32
      %dma_wait3A_50 = tpu.memref_slice %dma_wait3A_48[%mul3A_2, %dma_wait3A_49] : memref<10112x128xf32, #tpu.memory_space<hbm>> -> memref<632x128xf32, #tpu.memory_space<hbm>>
      %dma_wait3A_51 = arith.constant 0 : i32
      %dma_wait3A_52 = tpu.memref_slice %arg11[%mul3A_2, %dma_wait3A_51] : memref<10112x128xf32, #tpu.memory_space<vmem_shared>> -> memref<632x128xf32, #tpu.memory_space<vmem_shared>>
      tpu.wait_dma2 semaphore(%run_scoped3A : memref<!tpu.dma_semaphore, #tpu.memory_space<semaphore_mem>>) src(%dma_wait3A_52 : memref<632x128xf32, #tpu.memory_space<vmem_shared>>) dst(%dma_wait3A_50 : memref<632x128xf32, #tpu.memory_space<hbm>>)
      tpu.yield
    }) : () -> ()
    return
  }
}

module attributes {stable_mosaic.version = 14 : i64} {
  func.func @_tc_prep_body(%arg0: memref<2x10112x16xf32, #tpu.memory_space<vmem>>, %arg1: memref<10000x128xf32, #tpu.memory_space<vmem>>, %arg2: memref<10112x16xf32, #tpu.memory_space<vmem>>, %arg3: memref<10112x128xf32, #tpu.memory_space<vmem>>) attributes {dimension_semantics = [], scalar_prefetch = 0 : i64, scratch_operands = 0 : i64, tpu.core_type = #tpu.core_type<tc>} {
    %get3A = arith.constant 0 : index
    %get3A_0 = arith.constant 0 : index
    %get3A_1 = arith.constant 0 : index
    %get3A_2 = vector.load %arg0[%get3A, %get3A_0, %get3A_1] : memref<2x10112x16xf32, #tpu.memory_space<vmem>>, vector<1x10112x1xf32>
    %get3A_3 = vector.shape_cast %get3A_2 : vector<1x10112x1xf32> to vector<10112x1xf32>
    %get3A_4 = arith.constant 1 : index
    %get3A_5 = arith.constant 0 : index
    %get3A_6 = arith.constant 0 : index
    %get3A_7 = vector.load %arg0[%get3A_4, %get3A_5, %get3A_6] : memref<2x10112x16xf32, #tpu.memory_space<vmem>>, vector<1x10112x1xf32>
    %get3A_8 = vector.shape_cast %get3A_7 : vector<1x10112x1xf32> to vector<10112x1xf32>
    %add3A = arith.addf %get3A_3, %get3A_8 : vector<10112x1xf32>
    %add3A_9 = arith.constant 1.000000e+00 : f32
    %add3A_10 = vector.broadcast %add3A_9 : f32 to vector<10112x1xf32>
    %add3A_11 = arith.addf %add3A, %add3A_10 : vector<10112x1xf32>
    %rsqrt3A = math.rsqrt %add3A_11 : vector<10112x1xf32>
    %broadcast_in_dim3A = vector.shape_cast %rsqrt3A : vector<10112x1xf32> to vector<10112x1xf32>
    %broadcast_in_dim3A_12 = vector.broadcast %broadcast_in_dim3A : vector<10112x1xf32> to vector<10112x16xf32>
    %swap3A = arith.constant 0 : index
    %swap3A_13 = arith.constant 0 : index
    %swap3A_14 = vector.load %arg2[%swap3A, %swap3A_13] : memref<10112x16xf32, #tpu.memory_space<vmem>>, vector<10112x16xf32>
    tpu.vector_store %arg2[%swap3A, %swap3A_13], %broadcast_in_dim3A_12 {strides = array<i32>} : memref<10112x16xf32, #tpu.memory_space<vmem>>, vector<10112x16xf32>,
    %get3A_15 = arith.constant 0 : index
    %get3A_16 = arith.constant 0 : index
    %get3A_17 = vector.load %arg1[%get3A_15, %get3A_16] : memref<10000x128xf32, #tpu.memory_space<vmem>>, vector<10000x128xf32>
    %slice3A = vector.extract_strided_slice %rsqrt3A {offsets = [0, 0], sizes = [10000, 1], strides = [1, 1]} : vector<10112x1xf32> to vector<10000x1xf32>
    %mul3A = vector.broadcast %slice3A : vector<10000x1xf32> to vector<10000x128xf32>
    %mul3A_18 = arith.mulf %get3A_17, %mul3A : vector<10000x128xf32>
    %swap3A_19 = arith.constant 0 : index
    %swap3A_20 = arith.constant 0 : index
    %swap3A_21 = vector.load %arg3[%swap3A_19, %swap3A_20] : memref<10112x128xf32, #tpu.memory_space<vmem>>, vector<10000x128xf32>
    tpu.vector_store %arg3[%swap3A_19, %swap3A_20], %mul3A_18 {strides = array<i32>} : memref<10112x128xf32, #tpu.memory_space<vmem>>, vector<10000x128xf32>,
    %broadcast_in_dim3A_22 = arith.constant 0.000000e+00 : f32
    %broadcast_in_dim3A_23 = vector.broadcast %broadcast_in_dim3A_22 : f32 to vector<112x128xf32>
    %swap3A_24 = arith.constant 10000 : index
    %swap3A_25 = arith.constant 0 : index
    %swap3A_26 = vector.load %arg3[%swap3A_24, %swap3A_25] : memref<10112x128xf32, #tpu.memory_space<vmem>>, vector<112x128xf32>
    tpu.vector_store %arg3[%swap3A_24, %swap3A_25], %broadcast_in_dim3A_23 {strides = array<i32>} : memref<10112x128xf32, #tpu.memory_space<vmem>>, vector<112x128xf32>,
    return
  }
}

module attributes {stable_mosaic.version = 14 : i64} {
  func.func @_tc_mid_body(%arg0: memref<2x10112x128xf32, #tpu.memory_space<vmem>>, %arg1: memref<10112x16xf32, #tpu.memory_space<vmem>>, %arg2: memref<128x128xf32, #tpu.memory_space<vmem>>, %arg3: memref<1x128xf32, #tpu.memory_space<vmem>>, %arg4: memref<128x16xf32, #tpu.memory_space<vmem>>, %arg5: memref<10112x16xf32, #tpu.memory_space<vmem>>) attributes {dimension_semantics = [], scalar_prefetch = 0 : i64, scratch_operands = 0 : i64, tpu.core_type = #tpu.core_type<tc>} {
    %get3A = arith.constant 0 : index
    %get3A_0 = arith.constant 0 : index
    %get3A_1 = vector.load %arg1[%get3A, %get3A_0] : memref<10112x16xf32, #tpu.memory_space<vmem>>, vector<10112x1xf32>
    %get3A_2 = arith.constant 0 : index
    %get3A_3 = arith.constant 0 : index
    %get3A_4 = arith.constant 0 : index
    %get3A_5 = vector.load %arg0[%get3A_2, %get3A_3, %get3A_4] : memref<2x10112x128xf32, #tpu.memory_space<vmem>>, vector<1x10112x128xf32>
    %get3A_6 = vector.shape_cast %get3A_5 : vector<1x10112x128xf32> to vector<10112x128xf32>
    %get3A_7 = arith.constant 1 : index
    %get3A_8 = arith.constant 0 : index
    %get3A_9 = arith.constant 0 : index
    %get3A_10 = vector.load %arg0[%get3A_7, %get3A_8, %get3A_9] : memref<2x10112x128xf32, #tpu.memory_space<vmem>>, vector<1x10112x128xf32>
    %get3A_11 = vector.shape_cast %get3A_10 : vector<1x10112x128xf32> to vector<10112x128xf32>
    %add3A = arith.addf %get3A_6, %get3A_11 : vector<10112x128xf32>
    %mul3A = vector.broadcast %get3A_1 : vector<10112x1xf32> to vector<10112x128xf32>
    %mul3A_12 = arith.mulf %add3A, %mul3A : vector<10112x128xf32>
    %get3A_13 = arith.constant 0 : index
    %get3A_14 = arith.constant 0 : index
    %get3A_15 = vector.load %arg2[%get3A_13, %get3A_14] : memref<128x128xf32, #tpu.memory_space<vmem>>, vector<128x128xf32>
    %dot_general3A = arith.constant dense<0.000000e+00> : vector<10112x128xf32>
    %dot_general3A_16 = tpu.matmul %mul3A_12, %get3A_15, %dot_general3A {dimension_numbers = #tpu.dot_dimension_numbers<[1], [0], [0], [1], [0, 0, 1, 1], [], []>, transpose_lhs_hint = false} : vector<10112x128xf32>, vector<128x128xf32>, vector<10112x128xf32> -> vector<10112x128xf32>
    %get3A_17 = arith.constant 0 : index
    %get3A_18 = arith.constant 0 : index
    %get3A_19 = vector.load %arg3[%get3A_17, %get3A_18] : memref<1x128xf32, #tpu.memory_space<vmem>>, vector<1x128xf32>
    %add3A_20 = vector.broadcast %get3A_19 : vector<1x128xf32> to vector<10112x128xf32>
    %add3A_21 = arith.addf %dot_general3A_16, %add3A_20 : vector<10112x128xf32>
    %max3A = arith.constant 0.000000e+00 : f32
    %max3A_22 = vector.broadcast %max3A : f32 to vector<10112x128xf32>
    %max3A_23 = arith.maximumf %add3A_21, %max3A_22 : vector<10112x128xf32>
    %get3A_24 = arith.constant 0 : index
    %get3A_25 = arith.constant 0 : index
    %get3A_26 = vector.load %arg4[%get3A_24, %get3A_25] : memref<128x16xf32, #tpu.memory_space<vmem>>, vector<128x16xf32>
    %dot_general3A_27 = arith.constant dense<0.000000e+00> : vector<10112x16xf32>
    %dot_general3A_28 = tpu.matmul %max3A_23, %get3A_26, %dot_general3A_27 {dimension_numbers = #tpu.dot_dimension_numbers<[1], [0], [0], [1], [0, 0, 1, 1], [], []>, transpose_lhs_hint = false} : vector<10112x128xf32>, vector<128x16xf32>, vector<10112x16xf32> -> vector<10112x16xf32>
    %mul3A_29 = vector.broadcast %get3A_1 : vector<10112x1xf32> to vector<10112x16xf32>
    %mul3A_30 = arith.mulf %dot_general3A_28, %mul3A_29 : vector<10112x16xf32>
    %swap3A = arith.constant 0 : index
    %swap3A_31 = arith.constant 0 : index
    %swap3A_32 = vector.load %arg5[%swap3A, %swap3A_31] : memref<10112x16xf32, #tpu.memory_space<vmem>>, vector<10112x16xf32>
    tpu.vector_store %arg5[%swap3A, %swap3A_31], %mul3A_30 {strides = array<i32>} : memref<10112x16xf32, #tpu.memory_space<vmem>>, vector<10112x16xf32>,
    return
  }
}

module attributes {stable_mosaic.version = 14 : i64} {
  func.func @_tc_final_body(%arg0: memref<2x10112x16xf32, #tpu.memory_space<vmem>>, %arg1: memref<10112x16xf32, #tpu.memory_space<vmem>>, %arg2: memref<1x16xf32, #tpu.memory_space<vmem>>, %arg3: memref<10000x8xf32, #tpu.memory_space<vmem>>) attributes {dimension_semantics = [], scalar_prefetch = 0 : i64, scratch_operands = 0 : i64, tpu.core_type = #tpu.core_type<tc>} {
    %get3A = arith.constant 0 : index
    %get3A_0 = arith.constant 0 : index
    %get3A_1 = arith.constant 0 : index
    %get3A_2 = vector.load %arg0[%get3A, %get3A_0, %get3A_1] : memref<2x10112x16xf32, #tpu.memory_space<vmem>>, vector<1x10112x16xf32>
    %get3A_3 = vector.shape_cast %get3A_2 : vector<1x10112x16xf32> to vector<10112x16xf32>
    %get3A_4 = arith.constant 1 : index
    %get3A_5 = arith.constant 0 : index
    %get3A_6 = arith.constant 0 : index
    %get3A_7 = vector.load %arg0[%get3A_4, %get3A_5, %get3A_6] : memref<2x10112x16xf32, #tpu.memory_space<vmem>>, vector<1x10112x16xf32>
    %get3A_8 = vector.shape_cast %get3A_7 : vector<1x10112x16xf32> to vector<10112x16xf32>
    %add3A = arith.addf %get3A_3, %get3A_8 : vector<10112x16xf32>
    %get3A_9 = arith.constant 0 : index
    %get3A_10 = arith.constant 0 : index
    %get3A_11 = vector.load %arg1[%get3A_9, %get3A_10] : memref<10112x16xf32, #tpu.memory_space<vmem>>, vector<10112x1xf32>
    %mul3A = vector.broadcast %get3A_11 : vector<10112x1xf32> to vector<10112x16xf32>
    %mul3A_12 = arith.mulf %add3A, %mul3A : vector<10112x16xf32>
    %get3A_13 = arith.constant 0 : index
    %get3A_14 = arith.constant 0 : index
    %get3A_15 = vector.load %arg2[%get3A_13, %get3A_14] : memref<1x16xf32, #tpu.memory_space<vmem>>, vector<1x16xf32>
    %add3A_16 = vector.broadcast %get3A_15 : vector<1x16xf32> to vector<10112x16xf32>
    %add3A_17 = arith.addf %mul3A_12, %add3A_16 : vector<10112x16xf32>
    %slice3A = vector.extract_strided_slice %add3A_17 {offsets = [0, 0], sizes = [10000, 8], strides = [1, 1]} : vector<10112x16xf32> to vector<10000x8xf32>
    %swap3A = arith.constant 0 : index
    %swap3A_18 = arith.constant 0 : index
    %swap3A_19 = vector.load %arg3[%swap3A, %swap3A_18] : memref<10000x8xf32, #tpu.memory_space<vmem>>, vector<10000x8xf32>
    tpu.vector_store %arg3[%swap3A, %swap3A_18], %slice3A {strides = array<i32>} : memref<10000x8xf32, #tpu.memory_space<vmem>>, vector<10000x8xf32>,
    return
  }
}

</mosaic_0001>

<sc_bundles>
// kernel: kernel.11.cloned.1.call-start
scs
__scs_entry_jumppad:
0x0: {  	(pc) =	sbr.rel $0x88, $3  }
0x1: {  	(tag) =	ssettag $0x0;
	lr =	simm.s32 $0x1  }
0x2: {  	[smem:$0x3F9B] =	sst lr;
	_ =	strace $0xD0000000  }
0x3: {  	_ = 	snop  }
0x4: {  	_ = 	snop  }
0x5: {  	_ = 	snop  }
0x6: {  	_ = 	snop  }
0x7: {  	_ = 	snop  }
__scs_overlays_trampoline_lowered:
0x8: {  	[smem:$0x3FAA] =	sst s0  }
0x9: {  	[smem:$0x3FAB] =	sst s1  }
0xa: {  	[smem:$0x3FAC] =	sst s2  }
0xb: {  	[smem:$0x3FAD] =	sst s3  }
0xc: {  	[smem:$0x3FAE] =	sst s4  }
0xd: {  	[smem:$0x3FAF] =	sst s5  }
0xe: {  	[smem:$0x3FB0] =	sst s6  }
0xf: {  	[smem:$0x3FB1] =	sst s7  }
0x10: {  	[smem:$0x3FB2] =	sst s8  }
0x11: {  	[smem:$0x3FB3] =	sst s9;
	s0 =	simm.s32 @!p0 $0x0  }
0x12: {  	s1 =	sld [smem:$0x3F99];
	s0 =	simm.s32 @p0 $0x1  }
0x13: {  	[smem:$0x3FB4] =	sst s0;
	s0 =	simm.s32 @!p1 $0x0  }
0x14: {  	s2 =	sld [smem:$0x3F98];
	s0 =	simm.s32 @p1 $0x1  }
0x15: {  	[smem:$0x3FB5] =	sst s0;
	s0 =	simm.s32 @!p2 $0x0  }
0x16: {  	s3 =	sld [smem:$0x3FDB];
	s0 =	simm.s32 @p2 $0x1  }
0x17: {  	s4 =	simm.s32 $0x1BF5;
	[smem:$0x3FB7] =	sst s0  }
0x18: {  	s0 =	sld [smem:$0x3F9A];
	_ =	swait.ge [sflag:s4], $0x0  }
0x19: {  	s7 =	sld [smem:$0x3F9B]  }
0x1a: {  	s8 =	sadd.s32 $0xFFFFE003, lr  }
0x1b: {  	s9 =	sadd.s32 $0xFFFFFEF7, lr;
	s5 =	simm.s32 $0xFFFFFFFF;
	p2 =	slt.u32 s8, $0xFFFFF086  }
0x1c: {  	p1 =	slt.u32 s9, $0xF7A;
	s5 =	simm.s32 @!p2 $0x0  }
0x1d: {  	s5 =	simm.s32 @p1 $0x1;
	p0 =	seq.s32 s7, s2  }
0x1e: {  	s7 =	smul.u32 @!p0 $0xF7A, s2;
	p2 =	seq.s32 @!p0 s5, $0x0  }
0x1f: {  	s9 =	smul.u32 $0xF7A, s1;
	s8 =	simm.s32 @!p0 $0x1BF5;
	p2 =	por !p2, p0  }
0x20: {  	[sflag:s8] =	ssyncset.s32 @!p0 $0xFFFFF086;
	s6 =	sadd.s32 @!p0 s3, s7;
	s7 =	simm.s32 @!p0 $0x108  }
0x21: {  	s3 =	sadd.s32 s3, s9;
	s6 =	sadd.s32 @!p0 $0x88, s6;
	s7 =	simm.s32 @p2 $0x1082  }
0x22: {  	[simem:s7], [sflag:s8] =	dma.local @!p0 [hbm:s6], $0xF7A  }
0x23: {  	s9 =	sor.u32 $0xD0000000, s2;
	s6 =	simm.s32 $0x108;
	_ =	swait.ge @!p0 [sflag:s8], $0x0  }
0x24: {  	s3 =	sadd.s32 $0x88, s3;
	s6 =	simm.s32 @!p1 $0x1082;
	[sflag:s4] =	ssyncset.s32 $0xFFFFF086  }
0x25: {  	[simem:s6], [sflag:s4] =	dma.local [hbm:s3], $0xF7A  }
0x26: {  	[smem:$0x3F9B] =	sst s1;
	(tag) =	ssettag s2;
	_ =	strace s9  }
0x27: {  	s1 =	sld [smem:$0x3FAB]  }
0x28: {  	s2 =	sld [smem:$0x3FAC]  }
0x29: {  	s4 =	sld [smem:$0x3FAE]  }
0x2a: {  	p0 =	seq.s32 s5, $0x0;
	s5 =	sld [smem:$0x3FAF]  }
0x2b: {  	s6 =	sld [smem:$0x3FB0]  }
0x2c: {  	s7 =	sld [smem:$0x3FB1]  }
0x2d: {  	s3 =	simm.s32 $0x108;
	s8 =	sld [smem:$0x3FB2]  }
0x2e: {  	s3 =	simm.s32 @!p0 $0x1082;
	s9 =	sld [smem:$0x3FB3]  }
0x2f: {  	lr =	sadd.s32 s0, s3;
	s0 =	sld [smem:$0x3FAA]  }
0x30: {  	s3 =	sld [smem:$0x3FAD]  }
0x31: {  	[smem:$0x3FB6] =	sst s10  }
0x32: {  	s10 =	sld [smem:$0x3FB4];
	_ =	sdelay $0x3  }
0x33: {  	p0 =	seq.s32 s10, $0x1;
	s10 =	sld [smem:$0x3FB6];
	_ =	sdelay $0x3  }
0x34: {  	[smem:$0x3FB6] =	sst s10  }
0x35: {  	s10 =	sld [smem:$0x3FB5];
	_ =	sdelay $0x3  }
0x36: {  	p1 =	seq.s32 s10, $0x1;
	s10 =	sld [smem:$0x3FB6];
	_ =	sdelay $0x3  }
0x37: {  	[smem:$0x3FB6] =	sst s10  }
0x38: {  	s10 =	sld [smem:$0x3FB7]  }
0x39: {  	_ = 	snop;
	(pc) =	sbr.ind lr, $3  }
0x3a: {  	_ = 	snop  }
0x3b: {  	_ = 	snop  }
0x3c: {  	p2 =	seq.s32 s10, $0x1;
	s10 =	sld [smem:$0x3FB6]  }
0x3d: {  	_ =	shalt  }
0x3e: {  	_ =	shalt  }
0x3f: {  	_ =	shalt  }
0x40: {  	_ =	shalt  }
0x41: {  	_ =	shalt  }
0x42: {  	_ =	shalt  }
0x43: {  	_ =	shalt  }
0x44: {  	_ =	shalt  }
0x45: {  	_ =	shalt  }
0x46: {  	_ =	shalt  }
0x47: {  	_ =	shalt  }
0x48: {  	_ =	shalt  }
0x49: {  	_ =	shalt  }
0x4a: {  	_ =	shalt  }
0x4b: {  	_ =	shalt  }
0x4c: {  	_ =	shalt  }
0x4d: {  	_ =	shalt  }
0x4e: {  	_ =	shalt  }
0x4f: {  	_ =	shalt  }
0x50: {  	_ =	shalt  }
0x51: {  	_ =	shalt  }
0x52: {  	_ =	shalt  }
0x53: {  	_ =	shalt  }
0x54: {  	_ =	shalt  }
0x55: {  	_ =	shalt  }
0x56: {  	_ =	shalt  }
0x57: {  	_ =	shalt  }
0x58: {  	_ =	shalt  }
0x59: {  	_ =	shalt  }
0x5a: {  	_ =	shalt  }
0x5b: {  	_ =	shalt  }
0x5c: {  	_ =	shalt  }
0x5d: {  	_ =	shalt  }
0x5e: {  	_ =	shalt  }
0x5f: {  	_ =	shalt  }
0x60: {  	_ =	shalt  }
0x61: {  	_ =	shalt  }
0x62: {  	_ =	shalt  }
0x63: {  	_ =	shalt  }
0x64: {  	_ =	shalt  }
0x65: {  	_ =	shalt  }
0x66: {  	_ =	shalt  }
0x67: {  	_ =	shalt  }
0x68: {  	_ =	shalt  }
0x69: {  	_ =	shalt  }
0x6a: {  	_ =	shalt  }
0x6b: {  	_ =	shalt  }
0x6c: {  	_ =	shalt  }
0x6d: {  	_ =	shalt  }
0x6e: {  	_ =	shalt  }
0x6f: {  	_ =	shalt  }
0x70: {  	_ =	shalt  }
0x71: {  	_ =	shalt  }
0x72: {  	_ =	shalt  }
0x73: {  	_ =	shalt  }
0x74: {  	_ =	shalt  }
0x75: {  	_ =	shalt  }
0x76: {  	_ =	shalt  }
0x77: {  	_ =	shalt  }
0x78: {  	_ =	shalt  }
0x79: {  	_ =	shalt  }
0x7a: {  	_ =	shalt  }
0x7b: {  	_ =	shalt  }
0x7c: {  	_ =	shalt  }
0x7d: {  	_ =	shalt  }
0x7e: {  	_ =	shalt  }
0x7f: {  	_ =	shalt  }
0x80: {  	_ =	shalt  }
0x81: {  	_ =	shalt  }
0x82: {  	_ =	shalt  }
0x83: {  	_ =	shalt  }
0x84: {  	_ =	shalt  }
0x85: {  	_ =	shalt  }
0x86: {  	_ =	shalt  }
0x87: {  	_ =	shalt  }
.Lfunc_end0:
.L_simem_size_0:
called_computation.1_lowered:
.L_overlay_start_0:
0x88: {  	s2 =	sld [smem:$0x3FD9]  }
0x89: {  	s3 =	sld [smem:$0x3FFE];
	_ =	sdelay $0x1  }
0x8a: {  	s1 =	srdreg.scid  }
0x8b: {  	s0 =	sand.u32 $0x1, s1  }
0x8c: {  	s16 =	sshll.u32 s0, $0xA;
	s2 =	sadd.s32 s3, s2  }
0x8d: {  	s2 =	sadd.s32 s2, s16  }
0x8e: {  	[smem:$0x3FC2] =	sst s2  }
0x8f: {  	_ = 	snop  }
0x90: {  	(tm) =	ssettm $0x1  }
0x91: {  	s17 =	sld [smem:$0x3FFB];
	_ =	sdelay $0x3  }
0x92: {  	_ =	strace s17  }
0x93: {  	s2 =	sld [smem:$0x3FFC];
	_ =	sdelay $0x3  }
0x94: {  	_ =	strace s2  }
0x95: {  	s2 =	sld [smem:$0x3FFD];
	_ =	sdelay $0x3  }
0x96: {  	_ =	strace s2  }
0x97: {  	_ =	strace $0x8FFFFFFF  }
0x98: {  	s18 =	sld [smem:$0x3FDB];
	_ =	sdelay $0x1  }
0x99: {  	s19 =	simm.s32 $_scs_section_size  }
0x9a: {  	s4 =	simm.s32 $_size__tile_overlayer_lowered;
	s5 =	simm.s32 $_tile_overlayer_lowered  }
0x9b: {  	s22 =	simm.s32 $0x1BFF;
	s21 =	sshll.u32 s5, $0x1;
	s2 =	sadd.s32 s19, s18  }
0x9c: {  	s6 =	simm.s32 $0x0;
	s20 =	sshll.u32 s4, $0x1;
	s4 =	sadd.s32 s21, s2  }
0x9d: {  	[timem:s6], [sflag:s22] =	dma.local [hbm:s4], s20  }
0x9e: {  	_ =	swait.ge [sflag:s22], s20  }
0x9f: {  	s3 =	ssub.s32 $0x0, s20;
	[sflag:s22] =	ssyncset.done $0x0  }
0xa0: {  	[sflag:s22] =	ssyncadd.s32 s3;
	_ =	sdelay $0x1  }
0xa1: {  	s23 =	simm.s32 $0x1B8B  }
0xa2: {  	_ =	swait.ge [sflag:s23], $0x1  }
0xa3: {  	[sflag:s23] =	ssyncset.done $0x0  }
0xa4: {  	s25 =	simm.s32 $0x1B8E;
	s24 =	sld [smem:$0x3FFE];
	[sflag:s23] =	ssyncadd.s32 $0xFFFFFFFF  }
0xa5: {  	s26 =	simm.s32 $execute0_lowered;
	[smem:$0x3FD2] =	sst s25  }
0xa6: {  	s4 =	sshll.u32 s26, $0x1;
	_ =	strace $0x80000049;
	[dreg:$0x1] =	wrdreg $0xFFFFFFFF  }
0xa7: {  	s28 =	simm.s32 $_size_execute0_lowered;
	s2 =	sadd.s32 s2, s4;
	[dreg:$0x0] =	wrdreg $0x0  }
0xa8: {  	s4 =	sshll.u32 s28, $0x1;
	[dreg:$0x2] =	wrdreg s2  }
0xa9: {  	[dreg:$0x3] =	wrdreg s4  }
0xaa: {  	[dreg:$0x4] =	wrdreg $0xC0  }
0xab: {  	_ =	task [dreg:s6], $0x5FFFF  }
0xac: {  	[dreg:$0x1] =	wrdreg $0xFFFFFFFF  }
0xad: {  	[dreg:$0x0] =	wrdreg $0x60  }
0xae: {  	[dreg:$0x2] =	wrdreg s24  }
0xaf: {  	[dreg:$0x3] =	wrdreg $0x9A000  }
0xb0: {  	[dreg:$0x4] =	wrdreg $0x9  }
0xb1: {  	_ =	task.clear_ibuf [dreg:s6], $0x5FFFF;
	_ =	strace $0x90000049  }
0xb2: {  	s29 =	simm.s32 $0x9;
	_ =	strace $0x8000004B  }
0xb3: {  	_ =	swait.ge [sflag:s29], $0x1  }
0xb4: {  	[sflag:s29] =	ssyncadd.s32 $0xFFFFFFFF  }
0xb5: {  	_ =	strace $0x9000004B  }
0xb6: {  	_ =	sfence  }
0xb7: {  	s30 =	sld [smem:$0x0];
	_ =	sdelay $0x2  }
0xb8: {  	s31 =	sshll.u32 s1, $0xD;
	s1 =	sshrl.u32 s1, $0x2  }
0xb9: {  	s3 =	sand.u32 $0x4000, s31;
	s1 =	sadd.s32 s1, s30  }
0xba: {  	s0 =	sor.u32 s3, s0;
	s1 =	sshll.u32 s1, $0x11  }
0xbb: {  	s0 =	sor.u32 s1, s0  }
0xbc: {  	s0 =	sadd.s32 $0x8F2B, s0  }
0xbd: {  	[sflag:s0] =	ssyncadd.remote.s32 $0x1  }
0xbe: {  	_ =	sfence.sel $0xFFFF  }
0xbf: {  	[dreg:$0x0] =	wrdreg $0xFFFFFFFF;
	(pc) =	sbr.abs _section_cstart, $3  }
0xc0: {  	[dreg:$0x1] =	wrdreg $0xFFFFFFFF  }
0xc1: {  	_ =	task.clear_ibuf [dreg:s6], $0x2FFFF;
	_ =	strace $0x9FFFFFFF  }
0xc2: {  	(tm) =	ssettm $0x7FFFFFFF  }
0xc3: {  	_ =	shalt  }
tec
execute0_lowered:
.L_overlay_start_1:
0x0: {  	(tag) =	ssettag $0x1  }
0x1: {  	s5 =	rddreg [dreg:$0x0]  }
0x2: {  	s0 =	srdreg.scid;
	s2 =	rddreg [dreg:$0x1]  }
0x3: {  	s29 =	stileid.u32;
	s3 =	simm.s32 $0x0;
	s14 =	simm.s32 $0x40  }
0x4: {  	s15 =	simm.s32 $0x5A00;
	s16 =	simm.s32 $0x7A00;
	s17 =	simm.s32 $0x1  }
0x5: {  	s18 =	simm.s32 $0x3;
	s19 =	simm.s32 $0x2;
	s6 =	sand.u32 $0x1, s0  }
0x6: {  	[smem:$0x7FF] =	sst s3;
	s9 =	sadd.s32 $0x57000, s5;
	s12 =	smul.u32 $0x13C00, s29  }
0x7: {  	s31 =	sshll.u32 s29, $0x6;
	s4 =	sshll.u32 s6, $0x4;
	_ =	strace $0x8000004A  }
0x8: {  	s8 =	smul.u32 $0x27800, s6;
	s10 =	ssub.s32 $0x2, s6;
	p0 =	seq.s32 s6, $0x0  }
0x9: {  	s4 =	sor.u32 s29, s4;
	s11 =	sshrl.u32 s10, $0x1;
	s13 =	sadd.s32 s12, s2  }
0xa: {  	s20 =	sshrl.u32 s12, $0x3;
	s12 =	sor.u32 $0x1C03, s31;
	s7 =	smul.u32 $0x5A0, s4  }
0xb: {  	s4 =	sadd.s32 $0x2F800, s5;
	s8 =	sadd.s32 s8, s5;
	s10 =	ssub.s32 s10, s11  }
0xc: {  	s11 =	simm.s32 $0x2D00;
	s13 =	sshrl.u32 s13, $0x3;
	s21 =	sadd.s32 $0x7E800, s8  }
0xd: {  	s9 =	smov.u32 @p0 s4;
	s7 =	sadd.s32 s7, s5;
	s5 =	simm.s32 $0xB4  }
0xe: {  	s8 =	smax.u32 s10, $0x1;
	s9 =	sadd.s32 s9, s20;
	s5 =	simm.s32 @!p0 $0x86  }
0xf: {  	s20 =	sadd.s32 s20, s21;
	s21 =	simm.s32 $0x0;
	s30 =	sshrl.u32 s5, $0x1  }
0x10: {  	s6 =	sadd.s32 $0x24400, s7;
	s7 =	sadd.s32 $0x19000, s7;
	s10 =	sadd.s32 $0xFFFFFFFF, s30  }
.LBB2_1:
0x11: {  	[tilespmem:s3], [sflag:$0x3] =	stream.linear.gather [hbm4b:s6+s3], $0x2D00, $0x38;
	[tilespmem:$0x1D600] =	vst v63  }
0x12: {  	_ =	swait.ge [sflag:s18], $0x2D00  }
0x13: {  	[sflag:s18] =	ssyncset.done $0x0  }
0x14: {  	[sflag:s18] =	ssyncadd.s32 $0xFFFFD300  }
0x15: {  	[tilespmem:s11], [sflag:$0x3] =	stream.linear.gather [hbm4b:s7+s3], $0x2D00, $0x38;
	[tilespmem:$0x1D600] =	vst v63  }
0x16: {  	_ =	swait.ge [sflag:s18], $0x2D00  }
0x17: {  	[sflag:s18] =	ssyncset.done $0x0  }
0x18: {  	[sflag:s18] =	ssyncadd.s32 $0xFFFFD300  }
0x19: {  	[spmem:s13], [sflag:s12] =	dma.local [hbm:s9], $0x2780  }
0x1a: {  	_ =	swait.ge [sflag:s18], $0x2780  }
0x1b: {  	[sflag:s18] =	ssyncset.done $0x0  }
0x1c: {  	[sflag:s18] =	ssyncadd.s32 $0xFFFFD880  }
0x1d: {  	[bflag:$0x0] =	sbarrier.arrive $0xFFFF  }
0x1e: {  	[tilespmem:s15], [sflag:$0x1] =	stream.indirect.gather [hbm4b:s4+s14], $0x80, s3, s14, $0xb8;
	[tilespmem:$0x1D600] =	vst v63  }
0x1f: {  	_ = 	snop  }
0x20: {  	[tilespmem:s16], [sflag:$0x2] =	stream.indirect.gather [hbm4b:s4+s14], $0x80, s14, s14, $0xb8;
	[tilespmem:$0x1D600] =	vst v63  }
0x21: {  	_ =	swait.ge [sflag:s17], $0x2000  }
0x22: {  	[sflag:s17] =	ssyncset.done $0x0  }
0x23: {  	s22 =	simm.s32 $0x2D00;
	[sflag:s17] =	ssyncadd.s32 $0xFFFFE000  }
0x24: {  	[spmem:s2] =	stream.indirect.scatter.add.f32 [tilespmem:s15], [sflag:$0x3], $0x80, s22, s14, $0xb8;
	[tilespmem:$0x1D600] =	vst v63  }
0x25: {  	p0 =	sle.u32 s5, $0x2;
	s26 =	sadd.s32 $0xFFFFFFFF, s10;
	_ =	swait.ge [sflag:s18], $0x2000  }
0x26: {  	s25 =	simm.s32 $0x2D40;
	s23 =	simm.s32 @!p0 $0x40;
	[sflag:s18] =	ssyncset.done $0x0  }
0x27: {  	s24 =	simm.s32 @!p0 $0x5A00;
	s22 =	simm.s32 @!p0 $0x80;
	[sflag:s18] =	ssyncadd.s32 $0xFFFFE000  }
0x28: {  	[tilespmem:s24], [sflag:$0x1] =	stream.indirect.gather @!p0 [hbm4b:s4+s23], $0x80, s22, s23, $0xb8;
	[tilespmem:$0x1D600] =	vst v63  }
0x29: {  	p1 =	sle.u32 s5, $0x3;
	p0 =	sne.s32 s26, $0x0;
	_ =	swait.ge [sflag:s19], $0x2000  }
.Ltmp0:
0x2a: {  	s29 =	simm.s32 $0xC0;
	[sflag:s19] =	ssyncset.done $0x0;
	(pc) =	sbr.rel @!p0 .LBB2_3-.Ltmp0, $4  }
0x2b: {  	s28 =	simm.s32 $0xC0;
	s30 =	simm.s32 @!p1 $0x40;
	[sflag:s19] =	ssyncadd.s32 $0xFFFFE000  }
0x2c: {  	[spmem:s2] =	stream.indirect.scatter.add.f32 [tilespmem:s16], [sflag:$0x3], $0x80, s25, s14, $0xb8;
	[tilespmem:$0x1D600] =	vst v63  }
0x2d: {  	s31 =	simm.s32 @!p1 $0x7A00;
	s22 =	simm.s32 $0xC0;
	_ =	swait.ge [sflag:s18], $0x2000  }
0x2e: {  	s24 =	simm.s32 $0x2DC0;
	s23 =	simm.s32 $0x5;
	[sflag:s18] =	ssyncset.done $0x0  }
.LBB2_2:
0x2f: {  	s28 =	smov.u32 s22;
	s25 =	smov.u32 s24  }
0x30: {  	s26 =	sadd.s32 $0xFFFFFFFF, s26;
	s22 =	sadd.s32 $0x80, s22;
	[sflag:s18] =	ssyncadd.s32 $0xFFFFE000  }
0x31: {  	[tilespmem:s31], [sflag:$0x2] =	stream.indirect.gather @!p1 [hbm4b:s4+s30], $0x80, s29, s30, $0xb8;
	[tilespmem:$0x1D600] =	vst v63  }
0x32: {  	p0 =	sne.s32 s26, $0x0;
	s29 =	smov.u32 s22;
	_ =	swait.ge [sflag:s17], $0x2000  }
0x33: {  	s30 =	sadd.s32 $0xFFFFFFC0, s24;
	s31 =	smov.u32 s24;
	[sflag:s17] =	ssyncset.done $0x0  }
0x34: {  	s0 =	sadd.s32 $0xFFFFFFFF, s23;
	[sflag:s17] =	ssyncadd.s32 $0xFFFFE000  }
0x35: {  	[spmem:s2] =	stream.indirect.scatter.add.f32 [tilespmem:s15], [sflag:$0x3], $0x80, s30, s14, $0xb8;
	[tilespmem:$0x1D600] =	vst v63  }
0x36: {  	p1 =	sge.u32 s0, s5;
	_ =	swait.ge [sflag:s18], $0x2000  }
0x37: {  	s0 =	sadd.s32 @!p1 $0xFFFFFFC0, s22;
	s30 =	simm.s32 @!p1 $0x40;
	[sflag:s18] =	ssyncset.done $0x0  }
0x38: {  	s1 =	simm.s32 @!p1 $0x5A00;
	[sflag:s18] =	ssyncadd.s32 $0xFFFFE000  }
0x39: {  	[tilespmem:s1], [sflag:$0x1] =	stream.indirect.gather @!p1 [hbm4b:s4+s30], $0x80, s0, s30, $0xb8;
	[tilespmem:$0x1D600] =	vst v63  }
0x3a: {  	_ =	swait.ge [sflag:s19], $0x2000  }
.Ltmp1:
0x3b: {  	[sflag:s19] =	ssyncset.done $0x0;
	(pc) =	sbr.rel @p0 .LBB2_2-.Ltmp1, $4  }
0x3c: {  	s24 =	sadd.s32 $0x80, s24;
	[sflag:s19] =	ssyncadd.s32 $0xFFFFE000  }
0x3d: {  	[spmem:s2] =	stream.indirect.scatter.add.f32 [tilespmem:s16], [sflag:$0x3], $0x80, s31, s14, $0xb8;
	[tilespmem:$0x1D600] =	vst v63  }
0x3e: {  	p1 =	sge.u32 s23, s5;
	s23 =	sadd.s32 $0x2, s23;
	_ =	swait.ge [sflag:s18], $0x2000  }
0x3f: {  	s30 =	simm.s32 @!p1 $0x40;
	s31 =	simm.s32 @!p1 $0x7A00;
	[sflag:s18] =	ssyncset.done $0x0  }
.LBB2_3:
0x40: {  	[sflag:s18] =	ssyncadd.s32 $0xFFFFE000  }
0x41: {  	[tilespmem:s31], [sflag:$0x2] =	stream.indirect.gather @!p1 [hbm4b:s4+s30], $0x80, s29, s30, $0xb8;
	[tilespmem:$0x1D600] =	vst v63  }
0x42: {  	_ =	swait.ge [sflag:s17], $0x2000  }
0x43: {  	[sflag:s17] =	ssyncset.done $0x0  }
0x44: {  	s0 =	sadd.s32 $0x40, s25;
	s31 =	sadd.s32 $0xFFFFFFFF, s23;
	[sflag:s17] =	ssyncadd.s32 $0xFFFFE000  }
0x45: {  	[spmem:s2] =	stream.indirect.scatter.add.f32 [tilespmem:s15], [sflag:$0x3], $0x80, s0, s14, $0xb8;
	[tilespmem:$0x1D600] =	vst v63  }
0x46: {  	p0 =	sge.u32 s31, s5;
	_ =	swait.ge [sflag:s18], $0x2000  }
0x47: {  	s1 =	simm.s32 @!p0 $0x40;
	[sflag:s18] =	ssyncset.done $0x0  }
0x48: {  	s25 =	simm.s32 @!p0 $0x5A00;
	s0 =	sadd.s32 @!p0 $0x40, s28;
	[sflag:s18] =	ssyncadd.s32 $0xFFFFE000  }
0x49: {  	[tilespmem:s25], [sflag:$0x1] =	stream.indirect.gather @!p0 [hbm4b:s4+s1], $0x80, s0, s1, $0xb8;
	[tilespmem:$0x1D600] =	vst v63  }
0x4a: {  	_ =	swait.ge [sflag:s19], $0x2000  }
0x4b: {  	[sflag:s19] =	ssyncset.done $0x0  }
0x4c: {  	[sflag:s19] =	ssyncadd.s32 $0xFFFFE000  }
0x4d: {  	[spmem:s2] =	stream.indirect.scatter.add.f32 [tilespmem:s16], [sflag:$0x3], $0x80, s24, s14, $0xb8;
	[tilespmem:$0x1D600] =	vst v63  }
0x4e: {  	s21 =	sadd.s32 $0x1, s21;
	_ =	swait.ge [sflag:s18], $0x2000  }
0x4f: {  	s0 =	sadd.s32 $0x80, s22;
	p0 =	sge.u32 s23, s5;
	[sflag:s18] =	ssyncset.done $0x0  }
0x50: {  	s1 =	simm.s32 @!p0 $0x40;
	s22 =	simm.s32 @!p0 $0x7A00;
	[sflag:s18] =	ssyncadd.s32 $0xFFFFE000  }
0x51: {  	[tilespmem:s22], [sflag:$0x2] =	stream.indirect.gather @!p0 [hbm4b:s4+s1], $0x80, s0, s1, $0xb8;
	[tilespmem:$0x1D600] =	vst v63  }
0x52: {  	p0 =	sne.s32 s21, s8  }
.Ltmp2:
0x53: {  	[bflag:$0x0] =	sbarrier.arrive $0xFFFF;
	(pc) =	sbr.rel @p0 .LBB2_1-.Ltmp2, $4  }
0x54: {  	[hbm:s20], [sflag:s12] =	dma.local [spmem:s13], $0x2780  }
0x55: {  	_ =	swait.ge [sflag:s18], $0x2780  }
0x56: {  	[sflag:s18] =	ssyncset.done $0x0  }
0x57: {  	[sflag:s18] =	ssyncadd.s32 $0xFFFFD880  }
0x58: {  	_ =	sfence.sel $0x180000  }
0x59: {  	[bflag:$0x0] =	sbarrier.arrive $0xFFFF  }
0x5a: {  	_ =	strace $0x9000004A  }
0x5b: {  	s0 =	stileid.u32;
	[bflag:$0x2] =	sbarrier.arrive $0xFFFF  }
0x5c: {  	p0 =	sne.s32 s0, $0x0;
	s0 =	rddreg [dreg:$0x2]  }
0x5d: {  	s0 =	sadd.s32 @!p0 $0x100000, s0  }
0x5e: {  	[sflag:s0] =	ssyncadd.tile.s32 @!p0 $0x1;
	_ =	shalt  }
.Lfunc_end2:
_tile_overlayer_lowered:
.L_overlay_start_2:
0x5f: {  	(tag) =	ssettag $0x2  }
0x60: {  	s0 =	rddreg [dreg:$0x0];
	s2 =	stileid.u32  }
0x61: {  	s1 =	rddreg [dreg:$0x1];
	p0 =	sne.s32 s2, $0x0  }
0x62: {  	s3 =	rddreg [dreg:$0x2];
	[bflag:$0x3] =	sbarrier.arrive $0xFFFF;
	s2 =	simm.s32 @!p0 $0x1C03  }
0x63: {  	[timem:s3], [sflag:s2] =	dma.local @!p0 [hbm:s0], s1  }
0x64: {  	s0 =	simm.s32 @!p0 $0x3  }
0x65: {  	_ =	swait.ge @!p0 [sflag:s0], s1  }
0x66: {  	s1 =	ssub.s32 @!p0 $0x0, s1;
	[sflag:s0] =	ssyncset.done @!p0 $0x0  }
0x67: {  	[sflag:s0] =	ssyncadd.s32 @!p0 s1  }
0x68: {  	[bflag:$0x3] =	sbarrier.arrive $0xFFFF  }
0x69: {  	_ =	shalt  }

// kernel: kernel.14.cloned.1.call-start
scs
__scs_entry_jumppad:
0x0: {  	(pc) =	sbr.rel $0x88, $3  }
0x1: {  	(tag) =	ssettag $0x0;
	lr =	simm.s32 $0x1  }
0x2: {  	[smem:$0x3F9B] =	sst lr;
	_ =	strace $0xD0000000  }
0x3: {  	_ = 	snop  }
0x4: {  	_ = 	snop  }
0x5: {  	_ = 	snop  }
0x6: {  	_ = 	snop  }
0x7: {  	_ = 	snop  }
__scs_overlays_trampoline_lowered:
0x8: {  	[smem:$0x3FAA] =	sst s0  }
0x9: {  	[smem:$0x3FAB] =	sst s1  }
0xa: {  	[smem:$0x3FAC] =	sst s2  }
0xb: {  	[smem:$0x3FAD] =	sst s3  }
0xc: {  	[smem:$0x3FAE] =	sst s4  }
0xd: {  	[smem:$0x3FAF] =	sst s5  }
0xe: {  	[smem:$0x3FB0] =	sst s6  }
0xf: {  	[smem:$0x3FB1] =	sst s7  }
0x10: {  	[smem:$0x3FB2] =	sst s8  }
0x11: {  	[smem:$0x3FB3] =	sst s9;
	s0 =	simm.s32 @!p0 $0x0  }
0x12: {  	s1 =	sld [smem:$0x3F99];
	s0 =	simm.s32 @p0 $0x1  }
0x13: {  	[smem:$0x3FB4] =	sst s0;
	s0 =	simm.s32 @!p1 $0x0  }
0x14: {  	s2 =	sld [smem:$0x3F98];
	s0 =	simm.s32 @p1 $0x1  }
0x15: {  	[smem:$0x3FB5] =	sst s0;
	s0 =	simm.s32 @!p2 $0x0  }
0x16: {  	s3 =	sld [smem:$0x3FDB];
	s0 =	simm.s32 @p2 $0x1  }
0x17: {  	s4 =	simm.s32 $0x1BF5;
	[smem:$0x3FB7] =	sst s0  }
0x18: {  	s0 =	sld [smem:$0x3F9A];
	_ =	swait.ge [sflag:s4], $0x0  }
0x19: {  	s7 =	sld [smem:$0x3F9B]  }
0x1a: {  	s8 =	sadd.s32 $0xFFFFE003, lr  }
0x1b: {  	s9 =	sadd.s32 $0xFFFFFEF7, lr;
	s5 =	simm.s32 $0xFFFFFFFF;
	p2 =	slt.u32 s8, $0xFFFFF086  }
0x1c: {  	p1 =	slt.u32 s9, $0xF7A;
	s5 =	simm.s32 @!p2 $0x0  }
0x1d: {  	s5 =	simm.s32 @p1 $0x1;
	p0 =	seq.s32 s7, s2  }
0x1e: {  	s7 =	smul.u32 @!p0 $0xF7A, s2;
	p2 =	seq.s32 @!p0 s5, $0x0  }
0x1f: {  	s9 =	smul.u32 $0xF7A, s1;
	s8 =	simm.s32 @!p0 $0x1BF5;
	p2 =	por !p2, p0  }
0x20: {  	[sflag:s8] =	ssyncset.s32 @!p0 $0xFFFFF086;
	s6 =	sadd.s32 @!p0 s3, s7;
	s7 =	simm.s32 @!p0 $0x108  }
0x21: {  	s3 =	sadd.s32 s3, s9;
	s6 =	sadd.s32 @!p0 $0x88, s6;
	s7 =	simm.s32 @p2 $0x1082  }
0x22: {  	[simem:s7], [sflag:s8] =	dma.local @!p0 [hbm:s6], $0xF7A  }
0x23: {  	s9 =	sor.u32 $0xD0000000, s2;
	s6 =	simm.s32 $0x108;
	_ =	swait.ge @!p0 [sflag:s8], $0x0  }
0x24: {  	s3 =	sadd.s32 $0x88, s3;
	s6 =	simm.s32 @!p1 $0x1082;
	[sflag:s4] =	ssyncset.s32 $0xFFFFF086  }
0x25: {  	[simem:s6], [sflag:s4] =	dma.local [hbm:s3], $0xF7A  }
0x26: {  	[smem:$0x3F9B] =	sst s1;
	(tag) =	ssettag s2;
	_ =	strace s9  }
0x27: {  	s1 =	sld [smem:$0x3FAB]  }
0x28: {  	s2 =	sld [smem:$0x3FAC]  }
0x29: {  	s4 =	sld [smem:$0x3FAE]  }
0x2a: {  	p0 =	seq.s32 s5, $0x0;
	s5 =	sld [smem:$0x3FAF]  }
0x2b: {  	s6 =	sld [smem:$0x3FB0]  }
0x2c: {  	s7 =	sld [smem:$0x3FB1]  }
0x2d: {  	s3 =	simm.s32 $0x108;
	s8 =	sld [smem:$0x3FB2]  }
0x2e: {  	s3 =	simm.s32 @!p0 $0x1082;
	s9 =	sld [smem:$0x3FB3]  }
0x2f: {  	lr =	sadd.s32 s0, s3;
	s0 =	sld [smem:$0x3FAA]  }
0x30: {  	s3 =	sld [smem:$0x3FAD]  }
0x31: {  	[smem:$0x3FB6] =	sst s10  }
0x32: {  	s10 =	sld [smem:$0x3FB4];
	_ =	sdelay $0x3  }
0x33: {  	p0 =	seq.s32 s10, $0x1;
	s10 =	sld [smem:$0x3FB6];
	_ =	sdelay $0x3  }
0x34: {  	[smem:$0x3FB6] =	sst s10  }
0x35: {  	s10 =	sld [smem:$0x3FB5];
	_ =	sdelay $0x3  }
0x36: {  	p1 =	seq.s32 s10, $0x1;
	s10 =	sld [smem:$0x3FB6];
	_ =	sdelay $0x3  }
0x37: {  	[smem:$0x3FB6] =	sst s10  }
0x38: {  	s10 =	sld [smem:$0x3FB7]  }
0x39: {  	_ = 	snop;
	(pc) =	sbr.ind lr, $3  }
0x3a: {  	_ = 	snop  }
0x3b: {  	_ = 	snop  }
0x3c: {  	p2 =	seq.s32 s10, $0x1;
	s10 =	sld [smem:$0x3FB6]  }
0x3d: {  	_ =	shalt  }
0x3e: {  	_ =	shalt  }
0x3f: {  	_ =	shalt  }
0x40: {  	_ =	shalt  }
0x41: {  	_ =	shalt  }
0x42: {  	_ =	shalt  }
0x43: {  	_ =	shalt  }
0x44: {  	_ =	shalt  }
0x45: {  	_ =	shalt  }
0x46: {  	_ =	shalt  }
0x47: {  	_ =	shalt  }
0x48: {  	_ =	shalt  }
0x49: {  	_ =	shalt  }
0x4a: {  	_ =	shalt  }
0x4b: {  	_ =	shalt  }
0x4c: {  	_ =	shalt  }
0x4d: {  	_ =	shalt  }
0x4e: {  	_ =	shalt  }
0x4f: {  	_ =	shalt  }
0x50: {  	_ =	shalt  }
0x51: {  	_ =	shalt  }
0x52: {  	_ =	shalt  }
0x53: {  	_ =	shalt  }
0x54: {  	_ =	shalt  }
0x55: {  	_ =	shalt  }
0x56: {  	_ =	shalt  }
0x57: {  	_ =	shalt  }
0x58: {  	_ =	shalt  }
0x59: {  	_ =	shalt  }
0x5a: {  	_ =	shalt  }
0x5b: {  	_ =	shalt  }
0x5c: {  	_ =	shalt  }
0x5d: {  	_ =	shalt  }
0x5e: {  	_ =	shalt  }
0x5f: {  	_ =	shalt  }
0x60: {  	_ =	shalt  }
0x61: {  	_ =	shalt  }
0x62: {  	_ =	shalt  }
0x63: {  	_ =	shalt  }
0x64: {  	_ =	shalt  }
0x65: {  	_ =	shalt  }
0x66: {  	_ =	shalt  }
0x67: {  	_ =	shalt  }
0x68: {  	_ =	shalt  }
0x69: {  	_ =	shalt  }
0x6a: {  	_ =	shalt  }
0x6b: {  	_ =	shalt  }
0x6c: {  	_ =	shalt  }
0x6d: {  	_ =	shalt  }
0x6e: {  	_ =	shalt  }
0x6f: {  	_ =	shalt  }
0x70: {  	_ =	shalt  }
0x71: {  	_ =	shalt  }
0x72: {  	_ =	shalt  }
0x73: {  	_ =	shalt  }
0x74: {  	_ =	shalt  }
0x75: {  	_ =	shalt  }
0x76: {  	_ =	shalt  }
0x77: {  	_ =	shalt  }
0x78: {  	_ =	shalt  }
0x79: {  	_ =	shalt  }
0x7a: {  	_ =	shalt  }
0x7b: {  	_ =	shalt  }
0x7c: {  	_ =	shalt  }
0x7d: {  	_ =	shalt  }
0x7e: {  	_ =	shalt  }
0x7f: {  	_ =	shalt  }
0x80: {  	_ =	shalt  }
0x81: {  	_ =	shalt  }
0x82: {  	_ =	shalt  }
0x83: {  	_ =	shalt  }
0x84: {  	_ =	shalt  }
0x85: {  	_ =	shalt  }
0x86: {  	_ =	shalt  }
0x87: {  	_ =	shalt  }
.Lfunc_end0:
.L_simem_size_0:
called_computation.2_lowered:
.L_overlay_start_0:
0x88: {  	s2 =	sld [smem:$0x3FD9]  }
0x89: {  	s3 =	sld [smem:$0x3FFE];
	_ =	sdelay $0x1  }
0x8a: {  	s1 =	srdreg.scid  }
0x8b: {  	s0 =	sand.u32 $0x1, s1  }
0x8c: {  	s16 =	sshll.u32 s0, $0xA;
	s2 =	sadd.s32 s3, s2  }
0x8d: {  	s2 =	sadd.s32 s2, s16  }
0x8e: {  	[smem:$0x3FC2] =	sst s2  }
0x8f: {  	_ = 	snop  }
0x90: {  	(tm) =	ssettm $0x1  }
0x91: {  	s17 =	sld [smem:$0x3FFB];
	_ =	sdelay $0x3  }
0x92: {  	_ =	strace s17  }
0x93: {  	s2 =	sld [smem:$0x3FFC];
	_ =	sdelay $0x3  }
0x94: {  	_ =	strace s2  }
0x95: {  	s2 =	sld [smem:$0x3FFD];
	_ =	sdelay $0x3  }
0x96: {  	_ =	strace s2  }
0x97: {  	_ =	strace $0x8FFFFFFF  }
0x98: {  	s18 =	sld [smem:$0x3FDB];
	_ =	sdelay $0x1  }
0x99: {  	s19 =	simm.s32 $_scs_section_size  }
0x9a: {  	s4 =	simm.s32 $_size__tile_overlayer_lowered;
	s5 =	simm.s32 $_tile_overlayer_lowered  }
0x9b: {  	s22 =	simm.s32 $0x1BFF;
	s21 =	sshll.u32 s5, $0x1;
	s2 =	sadd.s32 s19, s18  }
0x9c: {  	s6 =	simm.s32 $0x0;
	s20 =	sshll.u32 s4, $0x1;
	s4 =	sadd.s32 s21, s2  }
0x9d: {  	[timem:s6], [sflag:s22] =	dma.local [hbm:s4], s20  }
0x9e: {  	_ =	swait.ge [sflag:s22], s20  }
0x9f: {  	s3 =	ssub.s32 $0x0, s20;
	[sflag:s22] =	ssyncset.done $0x0  }
0xa0: {  	[sflag:s22] =	ssyncadd.s32 s3;
	_ =	sdelay $0x1  }
0xa1: {  	s23 =	simm.s32 $0x1B8B  }
0xa2: {  	_ =	swait.ge [sflag:s23], $0x1  }
0xa3: {  	[sflag:s23] =	ssyncset.done $0x0  }
0xa4: {  	s25 =	simm.s32 $0x1B8E;
	s24 =	sld [smem:$0x3FFE];
	[sflag:s23] =	ssyncadd.s32 $0xFFFFFFFF  }
0xa5: {  	s26 =	simm.s32 $execute0_lowered;
	[smem:$0x3FD2] =	sst s25  }
0xa6: {  	s4 =	sshll.u32 s26, $0x1;
	_ =	strace $0x8000004C;
	[dreg:$0x1] =	wrdreg $0xFFFFFFFF  }
0xa7: {  	s28 =	simm.s32 $_size_execute0_lowered;
	s2 =	sadd.s32 s2, s4;
	[dreg:$0x0] =	wrdreg $0x0  }
0xa8: {  	s4 =	sshll.u32 s28, $0x1;
	[dreg:$0x2] =	wrdreg s2  }
0xa9: {  	[dreg:$0x3] =	wrdreg s4  }
0xaa: {  	[dreg:$0x4] =	wrdreg $0xC0  }
0xab: {  	_ =	task [dreg:s6], $0x5FFFF  }
0xac: {  	[dreg:$0x1] =	wrdreg $0xFFFFFFFF  }
0xad: {  	[dreg:$0x0] =	wrdreg $0x60  }
0xae: {  	[dreg:$0x2] =	wrdreg s24  }
0xaf: {  	[dreg:$0x3] =	wrdreg $0x82000  }
0xb0: {  	[dreg:$0x4] =	wrdreg $0x9  }
0xb1: {  	_ =	task.clear_ibuf [dreg:s6], $0x5FFFF;
	_ =	strace $0x9000004C  }
0xb2: {  	s29 =	simm.s32 $0x9;
	_ =	strace $0x8000004E  }
0xb3: {  	_ =	swait.ge [sflag:s29], $0x1  }
0xb4: {  	[sflag:s29] =	ssyncadd.s32 $0xFFFFFFFF  }
0xb5: {  	_ =	strace $0x9000004E  }
0xb6: {  	_ =	sfence  }
0xb7: {  	s30 =	sld [smem:$0x0];
	_ =	sdelay $0x2  }
0xb8: {  	s31 =	sshll.u32 s1, $0xD;
	s1 =	sshrl.u32 s1, $0x2  }
0xb9: {  	s3 =	sand.u32 $0x4000, s31;
	s1 =	sadd.s32 s1, s30  }
0xba: {  	s0 =	sor.u32 s3, s0;
	s1 =	sshll.u32 s1, $0x11  }
0xbb: {  	s0 =	sor.u32 s1, s0  }
0xbc: {  	s0 =	sadd.s32 $0x8F2B, s0  }
0xbd: {  	[sflag:s0] =	ssyncadd.remote.s32 $0x1  }
0xbe: {  	_ =	sfence.sel $0xFFFF  }
0xbf: {  	[dreg:$0x0] =	wrdreg $0xFFFFFFFF;
	(pc) =	sbr.abs _section_cstart, $3  }
0xc0: {  	[dreg:$0x1] =	wrdreg $0xFFFFFFFF  }
0xc1: {  	_ =	task.clear_ibuf [dreg:s6], $0x2FFFF;
	_ =	strace $0x9FFFFFFF  }
0xc2: {  	(tm) =	ssettm $0x7FFFFFFF  }
0xc3: {  	_ =	shalt  }
tec
execute0_lowered:
.L_overlay_start_1:
0x0: {  	(tag) =	ssettag $0x1  }
0x1: {  	s5 =	rddreg [dreg:$0x0]  }
0x2: {  	s0 =	srdreg.scid;
	s2 =	rddreg [dreg:$0x1]  }
0x3: {  	s29 =	stileid.u32;
	s3 =	simm.s32 $0x0;
	s14 =	simm.s32 $0x80  }
0x4: {  	s15 =	simm.s32 $0x7200;
	s16 =	simm.s32 $0x7A00;
	s17 =	simm.s32 $0x1  }
0x5: {  	s18 =	simm.s32 $0x3;
	s19 =	simm.s32 $0x2;
	s6 =	sand.u32 $0x1, s0  }
0x6: {  	[smem:$0x7FF] =	sst s3;
	s9 =	sadd.s32 $0xA200, s5;
	s12 =	smul.u32 $0x2780, s29  }
0x7: {  	s31 =	sshll.u32 s29, $0x6;
	s4 =	sshll.u32 s6, $0x4;
	_ =	strace $0x8000004D  }
0x8: {  	s8 =	smul.u32 $0x4F00, s6;
	s10 =	ssub.s32 $0x2, s6;
	p0 =	seq.s32 s6, $0x0  }
0x9: {  	s4 =	sor.u32 s29, s4;
	s11 =	sshrl.u32 s10, $0x1;
	s13 =	sadd.s32 s12, s2  }
0xa: {  	s20 =	sshrl.u32 s12, $0x3;
	s12 =	sor.u32 $0x1C03, s31;
	s7 =	smul.u32 $0x720, s4  }
0xb: {  	s4 =	sadd.s32 $0x200, s5;
	s8 =	sadd.s32 s8, s5;
	s10 =	ssub.s32 s10, s11  }
0xc: {  	s11 =	simm.s32 $0x3900;
	s13 =	sshrl.u32 s13, $0x3;
	s21 =	sadd.s32 $0xF200, s8  }
0xd: {  	s9 =	smov.u32 @p0 s4;
	s7 =	sadd.s32 s7, s5;
	s5 =	simm.s32 $0x72  }
0xe: {  	s8 =	smax.u32 s10, $0x1;
	s9 =	sadd.s32 s9, s20;
	s5 =	simm.s32 @!p0 $0x2C  }
0xf: {  	s20 =	sadd.s32 s20, s21;
	s21 =	simm.s32 $0x0;
	s30 =	sshrl.u32 s5, $0x1  }
0x10: {  	s6 =	sadd.s32 $0xDBC00, s7;
	s7 =	sadd.s32 $0xCD800, s7;
	s10 =	sadd.s32 $0xFFFFFFFF, s30  }
.LBB2_1:
0x11: {  	[tilespmem:s3], [sflag:$0x3] =	stream.linear.gather [hbm4b:s6+s3], $0x3900, $0x38;
	[tilespmem:$0xA980] =	vst v63  }
0x12: {  	_ =	swait.ge [sflag:s18], $0x3900  }
0x13: {  	[sflag:s18] =	ssyncset.done $0x0  }
0x14: {  	[sflag:s18] =	ssyncadd.s32 $0xFFFFC700  }
0x15: {  	[tilespmem:s11], [sflag:$0x3] =	stream.linear.gather [hbm4b:s7+s3], $0x3900, $0x38;
	[tilespmem:$0xA980] =	vst v63  }
0x16: {  	_ =	swait.ge [sflag:s18], $0x3900  }
0x17: {  	[sflag:s18] =	ssyncset.done $0x0  }
0x18: {  	[sflag:s18] =	ssyncadd.s32 $0xFFFFC700  }
0x19: {  	[spmem:s13], [sflag:s12] =	dma.local [hbm:s9], $0x4F0  }
0x1a: {  	_ =	swait.ge [sflag:s18], $0x4F0  }
0x1b: {  	[sflag:s18] =	ssyncset.done $0x0  }
0x1c: {  	[sflag:s18] =	ssyncadd.s32 $0xFFFFFB10  }
0x1d: {  	[bflag:$0x0] =	sbarrier.arrive $0xFFFF  }
0x1e: {  	[tilespmem:s15], [sflag:$0x1] =	stream.indirect.gather [hbm4b:s4+s14], $0x10, s3, s14, $0xb8;
	[tilespmem:$0xA980] =	vst v63  }
0x1f: {  	_ = 	snop  }
0x20: {  	[tilespmem:s16], [sflag:$0x2] =	stream.indirect.gather [hbm4b:s4+s14], $0x10, s14, s14, $0xb8;
	[tilespmem:$0xA980] =	vst v63  }
0x21: {  	_ =	swait.ge [sflag:s17], $0x800  }
0x22: {  	[sflag:s17] =	ssyncset.done $0x0  }
0x23: {  	s22 =	simm.s32 $0x3900;
	[sflag:s17] =	ssyncadd.s32 $0xFFFFF800  }
0x24: {  	[spmem:s2] =	stream.indirect.scatter.add.f32 [tilespmem:s15], [sflag:$0x3], $0x10, s22, s14, $0xb8;
	[tilespmem:$0xA980] =	vst v63  }
0x25: {  	p0 =	sle.u32 s5, $0x2;
	s26 =	sadd.s32 $0xFFFFFFFF, s10;
	_ =	swait.ge [sflag:s18], $0x800  }
0x26: {  	s25 =	simm.s32 $0x3980;
	s23 =	simm.s32 @!p0 $0x80;
	[sflag:s18] =	ssyncset.done $0x0  }
0x27: {  	s24 =	simm.s32 @!p0 $0x7200;
	s22 =	simm.s32 @!p0 $0x100;
	[sflag:s18] =	ssyncadd.s32 $0xFFFFF800  }
0x28: {  	[tilespmem:s24], [sflag:$0x1] =	stream.indirect.gather @!p0 [hbm4b:s4+s23], $0x10, s22, s23, $0xb8;
	[tilespmem:$0xA980] =	vst v63  }
0x29: {  	p1 =	sle.u32 s5, $0x3;
	p0 =	sne.s32 s26, $0x0;
	_ =	swait.ge [sflag:s19], $0x800  }
.Ltmp0:
0x2a: {  	s29 =	simm.s32 $0x180;
	[sflag:s19] =	ssyncset.done $0x0;
	(pc) =	sbr.rel @!p0 .LBB2_3-.Ltmp0, $4  }
0x2b: {  	s28 =	simm.s32 $0x180;
	s30 =	simm.s32 @!p1 $0x80;
	[sflag:s19] =	ssyncadd.s32 $0xFFFFF800  }
0x2c: {  	[spmem:s2] =	stream.indirect.scatter.add.f32 [tilespmem:s16], [sflag:$0x3], $0x10, s25, s14, $0xb8;
	[tilespmem:$0xA980] =	vst v63  }
0x2d: {  	s31 =	simm.s32 @!p1 $0x7A00;
	s22 =	simm.s32 $0x180;
	_ =	swait.ge [sflag:s18], $0x800  }
0x2e: {  	s24 =	simm.s32 $0x3A80;
	s23 =	simm.s32 $0x5;
	[sflag:s18] =	ssyncset.done $0x0  }
.LBB2_2:
0x2f: {  	s28 =	smov.u32 s22;
	s25 =	smov.u32 s24  }
0x30: {  	s26 =	sadd.s32 $0xFFFFFFFF, s26;
	s22 =	sadd.s32 $0x100, s22;
	[sflag:s18] =	ssyncadd.s32 $0xFFFFF800  }
0x31: {  	[tilespmem:s31], [sflag:$0x2] =	stream.indirect.gather @!p1 [hbm4b:s4+s30], $0x10, s29, s30, $0xb8;
	[tilespmem:$0xA980] =	vst v63  }
0x32: {  	p0 =	sne.s32 s26, $0x0;
	s29 =	smov.u32 s22;
	_ =	swait.ge [sflag:s17], $0x800  }
0x33: {  	s30 =	sadd.s32 $0xFFFFFF80, s24;
	s31 =	smov.u32 s24;
	[sflag:s17] =	ssyncset.done $0x0  }
0x34: {  	s0 =	sadd.s32 $0xFFFFFFFF, s23;
	[sflag:s17] =	ssyncadd.s32 $0xFFFFF800  }
0x35: {  	[spmem:s2] =	stream.indirect.scatter.add.f32 [tilespmem:s15], [sflag:$0x3], $0x10, s30, s14, $0xb8;
	[tilespmem:$0xA980] =	vst v63  }
0x36: {  	p1 =	sge.u32 s0, s5;
	_ =	swait.ge [sflag:s18], $0x800  }
0x37: {  	s0 =	sadd.s32 @!p1 $0xFFFFFF80, s22;
	s30 =	simm.s32 @!p1 $0x80;
	[sflag:s18] =	ssyncset.done $0x0  }
0x38: {  	s1 =	simm.s32 @!p1 $0x7200;
	[sflag:s18] =	ssyncadd.s32 $0xFFFFF800  }
0x39: {  	[tilespmem:s1], [sflag:$0x1] =	stream.indirect.gather @!p1 [hbm4b:s4+s30], $0x10, s0, s30, $0xb8;
	[tilespmem:$0xA980] =	vst v63  }
0x3a: {  	_ =	swait.ge [sflag:s19], $0x800  }
.Ltmp1:
0x3b: {  	[sflag:s19] =	ssyncset.done $0x0;
	(pc) =	sbr.rel @p0 .LBB2_2-.Ltmp1, $4  }
0x3c: {  	s24 =	sadd.s32 $0x100, s24;
	[sflag:s19] =	ssyncadd.s32 $0xFFFFF800  }
0x3d: {  	[spmem:s2] =	stream.indirect.scatter.add.f32 [tilespmem:s16], [sflag:$0x3], $0x10, s31, s14, $0xb8;
	[tilespmem:$0xA980] =	vst v63  }
0x3e: {  	p1 =	sge.u32 s23, s5;
	s23 =	sadd.s32 $0x2, s23;
	_ =	swait.ge [sflag:s18], $0x800  }
0x3f: {  	s30 =	simm.s32 @!p1 $0x80;
	s31 =	simm.s32 @!p1 $0x7A00;
	[sflag:s18] =	ssyncset.done $0x0  }
.LBB2_3:
0x40: {  	[sflag:s18] =	ssyncadd.s32 $0xFFFFF800  }
0x41: {  	[tilespmem:s31], [sflag:$0x2] =	stream.indirect.gather @!p1 [hbm4b:s4+s30], $0x10, s29, s30, $0xb8;
	[tilespmem:$0xA980] =	vst v63  }
0x42: {  	_ =	swait.ge [sflag:s17], $0x800  }
0x43: {  	[sflag:s17] =	ssyncset.done $0x0  }
0x44: {  	s0 =	sadd.s32 $0x80, s25;
	s31 =	sadd.s32 $0xFFFFFFFF, s23;
	[sflag:s17] =	ssyncadd.s32 $0xFFFFF800  }
0x45: {  	[spmem:s2] =	stream.indirect.scatter.add.f32 [tilespmem:s15], [sflag:$0x3], $0x10, s0, s14, $0xb8;
	[tilespmem:$0xA980] =	vst v63  }
0x46: {  	p0 =	sge.u32 s31, s5;
	_ =	swait.ge [sflag:s18], $0x800  }
0x47: {  	s1 =	simm.s32 @!p0 $0x80;
	[sflag:s18] =	ssyncset.done $0x0  }
0x48: {  	s25 =	simm.s32 @!p0 $0x7200;
	s0 =	sadd.s32 @!p0 $0x80, s28;
	[sflag:s18] =	ssyncadd.s32 $0xFFFFF800  }
0x49: {  	[tilespmem:s25], [sflag:$0x1] =	stream.indirect.gather @!p0 [hbm4b:s4+s1], $0x10, s0, s1, $0xb8;
	[tilespmem:$0xA980] =	vst v63  }
0x4a: {  	_ =	swait.ge [sflag:s19], $0x800  }
0x4b: {  	[sflag:s19] =	ssyncset.done $0x0  }
0x4c: {  	[sflag:s19] =	ssyncadd.s32 $0xFFFFF800  }
0x4d: {  	[spmem:s2] =	stream.indirect.scatter.add.f32 [tilespmem:s16], [sflag:$0x3], $0x10, s24, s14, $0xb8;
	[tilespmem:$0xA980] =	vst v63  }
0x4e: {  	s21 =	sadd.s32 $0x1, s21;
	_ =	swait.ge [sflag:s18], $0x800  }
0x4f: {  	s0 =	sadd.s32 $0x100, s22;
	p0 =	sge.u32 s23, s5;
	[sflag:s18] =	ssyncset.done $0x0  }
0x50: {  	s1 =	simm.s32 @!p0 $0x80;
	s22 =	simm.s32 @!p0 $0x7A00;
	[sflag:s18] =	ssyncadd.s32 $0xFFFFF800  }
0x51: {  	[tilespmem:s22], [sflag:$0x2] =	stream.indirect.gather @!p0 [hbm4b:s4+s1], $0x10, s0, s1, $0xb8;
	[tilespmem:$0xA980] =	vst v63  }
0x52: {  	p0 =	sne.s32 s21, s8  }
.Ltmp2:
0x53: {  	[bflag:$0x0] =	sbarrier.arrive $0xFFFF;
	(pc) =	sbr.rel @p0 .LBB2_1-.Ltmp2, $4  }
0x54: {  	[hbm:s20], [sflag:s12] =	dma.local [spmem:s13], $0x4F0  }
0x55: {  	_ =	swait.ge [sflag:s18], $0x4F0  }
0x56: {  	[sflag:s18] =	ssyncset.done $0x0  }
0x57: {  	[sflag:s18] =	ssyncadd.s32 $0xFFFFFB10  }
0x58: {  	_ =	sfence.sel $0x180000  }
0x59: {  	[bflag:$0x0] =	sbarrier.arrive $0xFFFF  }
0x5a: {  	_ =	strace $0x9000004D  }
0x5b: {  	s0 =	stileid.u32;
	[bflag:$0x2] =	sbarrier.arrive $0xFFFF  }
0x5c: {  	p0 =	sne.s32 s0, $0x0;
	s0 =	rddreg [dreg:$0x2]  }
0x5d: {  	s0 =	sadd.s32 @!p0 $0x100000, s0  }
0x5e: {  	[sflag:s0] =	ssyncadd.tile.s32 @!p0 $0x1;
	_ =	shalt  }
.Lfunc_end2:
_tile_overlayer_lowered:
.L_overlay_start_2:
0x5f: {  	(tag) =	ssettag $0x2  }
0x60: {  	s0 =	rddreg [dreg:$0x0];
	s2 =	stileid.u32  }
0x61: {  	s1 =	rddreg [dreg:$0x1];
	p0 =	sne.s32 s2, $0x0  }
0x62: {  	s3 =	rddreg [dreg:$0x2];
	[bflag:$0x3] =	sbarrier.arrive $0xFFFF;
	s2 =	simm.s32 @!p0 $0x1C03  }
0x63: {  	[timem:s3], [sflag:s2] =	dma.local @!p0 [hbm:s0], s1  }
0x64: {  	s0 =	simm.s32 @!p0 $0x3  }
0x65: {  	_ =	swait.ge @!p0 [sflag:s0], s1  }
0x66: {  	s1 =	ssub.s32 @!p0 $0x0, s1;
	[sflag:s0] =	ssyncset.done @!p0 $0x0  }
0x67: {  	[sflag:s0] =	ssyncadd.s32 @!p0 s1  }
0x68: {  	[bflag:$0x3] =	sbarrier.arrive $0xFFFF  }
0x69: {  	_ =	shalt  }

// kernel: kernel.8.cloned.1.call-start
scs
__scs_entry_jumppad:
0x0: {  	(pc) =	sbr.rel $0x88, $3  }
0x1: {  	(tag) =	ssettag $0x0;
	lr =	simm.s32 $0x1  }
0x2: {  	[smem:$0x3F9B] =	sst lr;
	_ =	strace $0xD0000000  }
0x3: {  	_ = 	snop  }
0x4: {  	_ = 	snop  }
0x5: {  	_ = 	snop  }
0x6: {  	_ = 	snop  }
0x7: {  	_ = 	snop  }
__scs_overlays_trampoline_lowered:
0x8: {  	[smem:$0x3FAA] =	sst s0  }
0x9: {  	[smem:$0x3FAB] =	sst s1  }
0xa: {  	[smem:$0x3FAC] =	sst s2  }
0xb: {  	[smem:$0x3FAD] =	sst s3  }
0xc: {  	[smem:$0x3FAE] =	sst s4  }
0xd: {  	[smem:$0x3FAF] =	sst s5  }
0xe: {  	[smem:$0x3FB0] =	sst s6  }
0xf: {  	[smem:$0x3FB1] =	sst s7  }
0x10: {  	[smem:$0x3FB2] =	sst s8  }
0x11: {  	[smem:$0x3FB3] =	sst s9;
	s0 =	simm.s32 @!p0 $0x0  }
0x12: {  	s1 =	sld [smem:$0x3F99];
	s0 =	simm.s32 @p0 $0x1  }
0x13: {  	[smem:$0x3FB4] =	sst s0;
	s0 =	simm.s32 @!p1 $0x0  }
0x14: {  	s2 =	sld [smem:$0x3F98];
	s0 =	simm.s32 @p1 $0x1  }
0x15: {  	[smem:$0x3FB5] =	sst s0;
	s0 =	simm.s32 @!p2 $0x0  }
0x16: {  	s3 =	sld [smem:$0x3FDB];
	s0 =	simm.s32 @p2 $0x1  }
0x17: {  	s4 =	simm.s32 $0x1BF5;
	[smem:$0x3FB7] =	sst s0  }
0x18: {  	s0 =	sld [smem:$0x3F9A];
	_ =	swait.ge [sflag:s4], $0x0  }
0x19: {  	s7 =	sld [smem:$0x3F9B]  }
0x1a: {  	s8 =	sadd.s32 $0xFFFFE003, lr  }
0x1b: {  	s9 =	sadd.s32 $0xFFFFFEF7, lr;
	s5 =	simm.s32 $0xFFFFFFFF;
	p2 =	slt.u32 s8, $0xFFFFF086  }
0x1c: {  	p1 =	slt.u32 s9, $0xF7A;
	s5 =	simm.s32 @!p2 $0x0  }
0x1d: {  	s5 =	simm.s32 @p1 $0x1;
	p0 =	seq.s32 s7, s2  }
0x1e: {  	s7 =	smul.u32 @!p0 $0xF7A, s2;
	p2 =	seq.s32 @!p0 s5, $0x0  }
0x1f: {  	s9 =	smul.u32 $0xF7A, s1;
	s8 =	simm.s32 @!p0 $0x1BF5;
	p2 =	por !p2, p0  }
0x20: {  	[sflag:s8] =	ssyncset.s32 @!p0 $0xFFFFF086;
	s6 =	sadd.s32 @!p0 s3, s7;
	s7 =	simm.s32 @!p0 $0x108  }
0x21: {  	s3 =	sadd.s32 s3, s9;
	s6 =	sadd.s32 @!p0 $0x88, s6;
	s7 =	simm.s32 @p2 $0x1082  }
0x22: {  	[simem:s7], [sflag:s8] =	dma.local @!p0 [hbm:s6], $0xF7A  }
0x23: {  	s9 =	sor.u32 $0xD0000000, s2;
	s6 =	simm.s32 $0x108;
	_ =	swait.ge @!p0 [sflag:s8], $0x0  }
0x24: {  	s3 =	sadd.s32 $0x88, s3;
	s6 =	simm.s32 @!p1 $0x1082;
	[sflag:s4] =	ssyncset.s32 $0xFFFFF086  }
0x25: {  	[simem:s6], [sflag:s4] =	dma.local [hbm:s3], $0xF7A  }
0x26: {  	[smem:$0x3F9B] =	sst s1;
	(tag) =	ssettag s2;
	_ =	strace s9  }
0x27: {  	s1 =	sld [smem:$0x3FAB]  }
0x28: {  	s2 =	sld [smem:$0x3FAC]  }
0x29: {  	s4 =	sld [smem:$0x3FAE]  }
0x2a: {  	p0 =	seq.s32 s5, $0x0;
	s5 =	sld [smem:$0x3FAF]  }
0x2b: {  	s6 =	sld [smem:$0x3FB0]  }
0x2c: {  	s7 =	sld [smem:$0x3FB1]  }
0x2d: {  	s3 =	simm.s32 $0x108;
	s8 =	sld [smem:$0x3FB2]  }
0x2e: {  	s3 =	simm.s32 @!p0 $0x1082;
	s9 =	sld [smem:$0x3FB3]  }
0x2f: {  	lr =	sadd.s32 s0, s3;
	s0 =	sld [smem:$0x3FAA]  }
0x30: {  	s3 =	sld [smem:$0x3FAD]  }
0x31: {  	[smem:$0x3FB6] =	sst s10  }
0x32: {  	s10 =	sld [smem:$0x3FB4];
	_ =	sdelay $0x3  }
0x33: {  	p0 =	seq.s32 s10, $0x1;
	s10 =	sld [smem:$0x3FB6];
	_ =	sdelay $0x3  }
0x34: {  	[smem:$0x3FB6] =	sst s10  }
0x35: {  	s10 =	sld [smem:$0x3FB5];
	_ =	sdelay $0x3  }
0x36: {  	p1 =	seq.s32 s10, $0x1;
	s10 =	sld [smem:$0x3FB6];
	_ =	sdelay $0x3  }
0x37: {  	[smem:$0x3FB6] =	sst s10  }
0x38: {  	s10 =	sld [smem:$0x3FB7]  }
0x39: {  	_ = 	snop;
	(pc) =	sbr.ind lr, $3  }
0x3a: {  	_ = 	snop  }
0x3b: {  	_ = 	snop  }
0x3c: {  	p2 =	seq.s32 s10, $0x1;
	s10 =	sld [smem:$0x3FB6]  }
0x3d: {  	_ =	shalt  }
0x3e: {  	_ =	shalt  }
0x3f: {  	_ =	shalt  }
0x40: {  	_ =	shalt  }
0x41: {  	_ =	shalt  }
0x42: {  	_ =	shalt  }
0x43: {  	_ =	shalt  }
0x44: {  	_ =	shalt  }
0x45: {  	_ =	shalt  }
0x46: {  	_ =	shalt  }
0x47: {  	_ =	shalt  }
0x48: {  	_ =	shalt  }
0x49: {  	_ =	shalt  }
0x4a: {  	_ =	shalt  }
0x4b: {  	_ =	shalt  }
0x4c: {  	_ =	shalt  }
0x4d: {  	_ =	shalt  }
0x4e: {  	_ =	shalt  }
0x4f: {  	_ =	shalt  }
0x50: {  	_ =	shalt  }
0x51: {  	_ =	shalt  }
0x52: {  	_ =	shalt  }
0x53: {  	_ =	shalt  }
0x54: {  	_ =	shalt  }
0x55: {  	_ =	shalt  }
0x56: {  	_ =	shalt  }
0x57: {  	_ =	shalt  }
0x58: {  	_ =	shalt  }
0x59: {  	_ =	shalt  }
0x5a: {  	_ =	shalt  }
0x5b: {  	_ =	shalt  }
0x5c: {  	_ =	shalt  }
0x5d: {  	_ =	shalt  }
0x5e: {  	_ =	shalt  }
0x5f: {  	_ =	shalt  }
0x60: {  	_ =	shalt  }
0x61: {  	_ =	shalt  }
0x62: {  	_ =	shalt  }
0x63: {  	_ =	shalt  }
0x64: {  	_ =	shalt  }
0x65: {  	_ =	shalt  }
0x66: {  	_ =	shalt  }
0x67: {  	_ =	shalt  }
0x68: {  	_ =	shalt  }
0x69: {  	_ =	shalt  }
0x6a: {  	_ =	shalt  }
0x6b: {  	_ =	shalt  }
0x6c: {  	_ =	shalt  }
0x6d: {  	_ =	shalt  }
0x6e: {  	_ =	shalt  }
0x6f: {  	_ =	shalt  }
0x70: {  	_ =	shalt  }
0x71: {  	_ =	shalt  }
0x72: {  	_ =	shalt  }
0x73: {  	_ =	shalt  }
0x74: {  	_ =	shalt  }
0x75: {  	_ =	shalt  }
0x76: {  	_ =	shalt  }
0x77: {  	_ =	shalt  }
0x78: {  	_ =	shalt  }
0x79: {  	_ =	shalt  }
0x7a: {  	_ =	shalt  }
0x7b: {  	_ =	shalt  }
0x7c: {  	_ =	shalt  }
0x7d: {  	_ =	shalt  }
0x7e: {  	_ =	shalt  }
0x7f: {  	_ =	shalt  }
0x80: {  	_ =	shalt  }
0x81: {  	_ =	shalt  }
0x82: {  	_ =	shalt  }
0x83: {  	_ =	shalt  }
0x84: {  	_ =	shalt  }
0x85: {  	_ =	shalt  }
0x86: {  	_ =	shalt  }
0x87: {  	_ =	shalt  }
.Lfunc_end0:
.L_simem_size_0:
called_computation_lowered:
.L_overlay_start_0:
0x88: {  	s2 =	sld [smem:$0x3FD9]  }
0x89: {  	s3 =	sld [smem:$0x3FFE];
	_ =	sdelay $0x1  }
0x8a: {  	s1 =	srdreg.scid  }
0x8b: {  	s0 =	sand.u32 $0x1, s1  }
0x8c: {  	s17 =	sshll.u32 s0, $0xA;
	s2 =	sadd.s32 s3, s2  }
0x8d: {  	s2 =	sadd.s32 s2, s17  }
0x8e: {  	[smem:$0x3FC2] =	sst s2  }
0x8f: {  	_ = 	snop  }
0x90: {  	s2 =	sld [smem:$0x3FD0];
	(tm) =	ssettm $0x1  }
0x91: {  	s18 =	sld [smem:$0x3FFB];
	_ =	sdelay $0x3  }
0x92: {  	_ =	strace s18  }
0x93: {  	s3 =	sld [smem:$0x3FFC];
	_ =	sdelay $0x3  }
0x94: {  	_ =	strace s3  }
0x95: {  	s3 =	sld [smem:$0x3FFD];
	_ =	sdelay $0x3  }
0x96: {  	_ =	strace s3  }
0x97: {  	_ =	strace $0x8FFFFFFF  }
0x98: {  	s19 =	sld [smem:$0x3FDB];
	_ =	sdelay $0x1  }
0x99: {  	s4 =	simm.s32 $_scs_section_size  }
0x9a: {  	s5 =	simm.s32 $_size__tile_overlayer_lowered;
	s6 =	simm.s32 $_tile_overlayer_lowered  }
0x9b: {  	s22 =	simm.s32 $0x1BFF;
	s21 =	sshll.u32 s6, $0x1;
	s3 =	sadd.s32 s4, s19  }
0x9c: {  	s7 =	simm.s32 $0x0;
	s20 =	sshll.u32 s5, $0x1;
	s5 =	sadd.s32 s21, s3  }
0x9d: {  	[timem:s7], [sflag:s22] =	dma.local [hbm:s5], s20  }
0x9e: {  	_ =	swait.ge [sflag:s22], s20  }
0x9f: {  	s4 =	ssub.s32 $0x0, s20;
	[sflag:s22] =	ssyncset.done $0x0  }
0xa0: {  	[sflag:s22] =	ssyncadd.s32 s4;
	_ =	sdelay $0x1  }
0xa1: {  	s23 =	simm.s32 $0x1B8B  }
0xa2: {  	_ =	swait.ge [sflag:s23], $0x1  }
0xa3: {  	[sflag:s23] =	ssyncset.done $0x0  }
0xa4: {  	s25 =	simm.s32 $0x1B8E;
	s24 =	sld [smem:$0x3FFE];
	[sflag:s23] =	ssyncadd.s32 $0xFFFFFFFF  }
0xa5: {  	s26 =	simm.s32 $execute0_lowered;
	[smem:$0x3FD2] =	sst s25  }
0xa6: {  	s5 =	sshll.u32 s26, $0x1;
	_ =	strace $0x80000046;
	[dreg:$0x1] =	wrdreg $0xFFFFFFFF  }
0xa7: {  	s28 =	simm.s32 $_size_execute0_lowered;
	s3 =	sadd.s32 s3, s5;
	[dreg:$0x0] =	wrdreg $0x0  }
0xa8: {  	s5 =	sshll.u32 s28, $0x1;
	[dreg:$0x2] =	wrdreg s3  }
0xa9: {  	[dreg:$0x3] =	wrdreg s5  }
0xaa: {  	[dreg:$0x4] =	wrdreg $0xC0  }
0xab: {  	_ =	task [dreg:s7], $0x5FFFF  }
0xac: {  	[dreg:$0x1] =	wrdreg $0xFFFFFFFF  }
0xad: {  	[dreg:$0x0] =	wrdreg $0x60  }
0xae: {  	[dreg:$0x2] =	wrdreg s24  }
0xaf: {  	[dreg:$0x3] =	wrdreg s2  }
0xb0: {  	[dreg:$0x4] =	wrdreg $0x30000  }
0xb1: {  	[dreg:$0x5] =	wrdreg $0x9  }
0xb2: {  	_ =	task.clear_ibuf [dreg:s7], $0x6FFFF;
	_ =	strace $0x90000046  }
0xb3: {  	s29 =	simm.s32 $0x9;
	_ =	strace $0x80000048  }
0xb4: {  	_ =	swait.ge [sflag:s29], $0x1  }
0xb5: {  	[sflag:s29] =	ssyncadd.s32 $0xFFFFFFFF  }
0xb6: {  	_ =	strace $0x90000048  }
0xb7: {  	_ =	sfence  }
0xb8: {  	s30 =	sld [smem:$0x0];
	_ =	sdelay $0x2  }
0xb9: {  	s31 =	sshll.u32 s1, $0xD;
	s1 =	sshrl.u32 s1, $0x2  }
0xba: {  	s3 =	sand.u32 $0x4000, s31;
	s1 =	sadd.s32 s1, s30  }
0xbb: {  	s0 =	sor.u32 s3, s0;
	s1 =	sshll.u32 s1, $0x11  }
0xbc: {  	s0 =	sor.u32 s1, s0  }
0xbd: {  	s0 =	sadd.s32 $0x8F2B, s0  }
0xbe: {  	[sflag:s0] =	ssyncadd.remote.s32 $0x1  }
0xbf: {  	_ =	sfence.sel $0xFFFF  }
0xc0: {  	[dreg:$0x0] =	wrdreg $0xFFFFFFFF;
	(pc) =	sbr.abs _section_cstart, $3  }
0xc1: {  	[dreg:$0x1] =	wrdreg $0xFFFFFFFF  }
0xc2: {  	_ =	task.clear_ibuf [dreg:s7], $0x2FFFF;
	_ =	strace $0x9FFFFFFF  }
0xc3: {  	(tm) =	ssettm $0x7FFFFFFF  }
tec
execute0_lowered:
.L_overlay_start_1:
0x0: {  	(tag) =	ssettag $0x1  }
0x1: {  	s5 =	rddreg [dreg:$0x0]  }
0x2: {  	s1 =	rddreg [dreg:$0x1]  }
0x3: {  	s2 =	rddreg [dreg:$0x2]  }
0x4: {  	s3 =	srdreg.scid;
	s0 =	rddreg [dreg:$0x3]  }
0x5: {  	s4 =	simm.s32 $0x0;
	s6 =	sand.u32 $0x1, s3;
	s3 =	stileid.u32  }
0x6: {  	[smem:$0x7FF] =	sst s4;
	s7 =	sshll.u32 s6, $0x4;
	s8 =	smul.u32 $0x2780, s3  }
0x7: {  	_ =	strace $0x80000047;
	s9 =	smul.u32 $0x4F00, s6;
	s6 =	ssub.s32 $0x2, s6  }
0x8: {  	s31 =	sshll.u32 s3, $0x6;
	s7 =	sor.u32 s3, s7;
	s11 =	sshrl.u32 s6, $0x1  }
0x9: {  	s7 =	smul.u32 $0x500, s7;
	s13 =	sshrl.u32 s8, $0x3;
	s9 =	sadd.s32 s9, s5  }
0xa: {  	s11 =	ssub.s32 s6, s11;
	s12 =	sadd.s32 s8, s2;
	s8 =	simm.s32 $0x1  }
0xb: {  	s10 =	sadd.s32 s13, s5;
	s14 =	sadd.s32 $0xF200, s9;
	s9 =	simm.s32 $0x2800  }
0xc: {  	s7 =	sadd.s32 s7, s5;
	s6 =	sadd.s32 $0xA200, s10;
	s10 =	sor.u32 $0x1C01, s31  }
0xd: {  	s13 =	sadd.s32 s13, s14;
	s14 =	simm.s32 $0x0;
	s5 =	sadd.s32 $0x200, s7  }
0xe: {  	s7 =	smax.u32 s11, $0x1;
	s11 =	sshrl.u32 s12, $0x3;
	s12 =	simm.s32 $0x80  }
.LBB2_1:
0xf: {  	[tilespmem:s4], [sflag:$0x1] =	stream.linear.gather [hbm4b:s5+s4], $0x2800, $0x38;
	[tilespmem:$0x5780] =	vst v63  }
0x10: {  	_ =	swait.ge [sflag:s8], $0x2800  }
0x11: {  	[sflag:s8] =	ssyncset.done $0x0  }
0x12: {  	[sflag:s8] =	ssyncadd.s32 $0xFFFFD800  }
0x13: {  	[tilespmem:s9], [sflag:$0x1] =	stream.linear.gather [hbm4b:s1+s4], $0x800, $0x38;
	[tilespmem:$0x5780] =	vst v63  }
0x14: {  	_ =	swait.ge [sflag:s8], $0x800  }
0x15: {  	[sflag:s8] =	ssyncset.done $0x0  }
0x16: {  	[sflag:s8] =	ssyncadd.s32 $0xFFFFF800  }
0x17: {  	[spmem:s11], [sflag:s10] =	dma.local [hbm:s6], $0x4F0  }
0x18: {  	_ =	swait.ge [sflag:s8], $0x4F0  }
0x19: {  	[sflag:s8] =	ssyncset.done $0x0  }
0x1a: {  	[sflag:s8] =	ssyncadd.s32 $0xFFFFFB10  }
0x1b: {  	s15 =	simm.s32 $0x0;
	[bflag:$0x0] =	sbarrier.arrive $0xFFFF  }
0x1c: {  	[spmem:s2] =	stream.indirect.scatter.add.f32 [tilespmem:s9], [sflag:$0x1], $0x10, s15, s12, $0xb8;
	[tilespmem:$0x5780] =	vst v63  }
0x1d: {  	_ =	swait.ge [sflag:s8], $0x800  }
0x1e: {  	s15 =	simm.s32 $0x200;
	[sflag:s8] =	ssyncset.done $0x0  }
.LBB2_2:
0x1f: {  	s16 =	sshra.s32 s15, $0x2;
	[sflag:s8] =	ssyncadd.s32 $0xFFFFF800;
	p0 =	sne.s32 s15, $0x9E00  }
0x20: {  	[spmem:s2] =	stream.indirect.scatter.add.f32 [tilespmem:s9], [sflag:$0x1], $0x10, s16, s12, $0xb8;
	[tilespmem:$0x5780] =	vst v63  }
.Ltmp0:
0x21: {  	_ = 	snop;
	(pc) =	sbr.rel @p0 .LBB2_2-.Ltmp0, $4  }
0x22: {  	_ = 	snop  }
0x23: {  	s15 =	sadd.s32 $0x200, s15  }
0x24: {  	_ =	swait.ge [sflag:s8], $0x800  }
0x25: {  	[sflag:s8] =	ssyncset.done $0x0  }
0x26: {  	s14 =	sadd.s32 $0x1, s14  }
0x27: {  	[sflag:s8] =	ssyncadd.s32 $0xFFFFF800;
	p0 =	sne.s32 s14, s7  }
.Ltmp1:
0x28: {  	[bflag:$0x0] =	sbarrier.arrive $0xFFFF;
	(pc) =	sbr.rel @p0 .LBB2_1-.Ltmp1, $4  }
0x29: {  	[hbm:s13], [sflag:s10] =	dma.local [spmem:s11], $0x4F0  }
0x2a: {  	_ =	swait.ge [sflag:s8], $0x4F0  }
0x2b: {  	[sflag:s8] =	ssyncset.done $0x0  }
0x2c: {  	[sflag:s8] =	ssyncadd.s32 $0xFFFFFB10  }
0x2d: {  	_ =	sfence.sel $0x180000  }
0x2e: {  	[bflag:$0x0] =	sbarrier.arrive $0xFFFF  }
0x2f: {  	p0 =	sne.s32 s3, $0x0;
	_ =	strace $0x90000047  }
0x30: {  	s0 =	sadd.s32 @!p0 $0x100000, s0;
	[bflag:$0x2] =	sbarrier.arrive $0xFFFF  }
0x31: {  	[sflag:s0] =	ssyncadd.tile.s32 @!p0 $0x1;
	_ =	shalt  }
.Lfunc_end2:
_tile_overlayer_lowered:
.L_overlay_start_2:
0x32: {  	(tag) =	ssettag $0x2  }
0x33: {  	s0 =	rddreg [dreg:$0x0];
	s2 =	stileid.u32  }
0x34: {  	s1 =	rddreg [dreg:$0x1];
	p0 =	sne.s32 s2, $0x0  }
0x35: {  	s3 =	rddreg [dreg:$0x2];
	[bflag:$0x3] =	sbarrier.arrive $0xFFFF;
	s2 =	simm.s32 @!p0 $0x1C01  }
0x36: {  	[timem:s3], [sflag:s2] =	dma.local @!p0 [hbm:s0], s1  }
0x37: {  	s0 =	simm.s32 @!p0 $0x1  }
0x38: {  	_ =	swait.ge @!p0 [sflag:s0], s1  }
0x39: {  	s1 =	ssub.s32 @!p0 $0x0, s1;
	[sflag:s0] =	ssyncset.done @!p0 $0x0  }
0x3a: {  	[sflag:s0] =	ssyncadd.s32 @!p0 s1  }
0x3b: {  	[bflag:$0x3] =	sbarrier.arrive $0xFFFF  }
0x3c: {  	_ =	shalt  }

</sc_bundles>
